<compile_context>
chip_gen: v7x
topology: tpu7x:2x2x1
jax: 0.10.2.dev20260603
libtpu: 0.0.44.dev20260713+nightly
codegen_flags: <defaults>
</compile_context>

<pallas_src>
import functools
import math

import jax
import jax.numpy as jnp
from jax import lax
from jax.experimental import pallas as pl
from jax.experimental.pallas import tpu as pltpu
from jax.experimental.pallas import tpu_sc as plsc



def _edge_mlp_kernel(esa_ref, esb_ref, aa_ref, ab_ref, wt_ref, bt_ref,
                     gt_ref, lbt_ref, mavg_ref, out_ref, *, fc):
    x = jnp.concatenate([esa_ref[...], esb_ref[...]], axis=0)
    h = jnp.dot(wt_ref[...], x, preferred_element_type=jnp.float32)
    h = h + bt_ref[...]
    mavg = mavg_ref[...]
    mu = jnp.dot(mavg, h, preferred_element_type=jnp.float32)
    msq = jnp.dot(mavg, h * h, preferred_element_type=jnp.float32)
    var = msq - mu * mu
    hn = (h - mu) * lax.rsqrt(var + 1e-5) * gt_ref[...] + lbt_ref[...]
    sil = hn * jax.nn.sigmoid(hn)
    bp = sil.shape[1]
    aa = aa_ref[...]
    ab = ab_ref[...]
    sa = sil[:fc, :] * jnp.broadcast_to(aa, (fc, bp))
    sb = sil[fc:, :] * jnp.broadcast_to(ab, (fc, bp))
    ones = jnp.ones((1, bp), jnp.float32)
    zpad = jnp.zeros((fc - 2, bp), jnp.float32)
    ta = jnp.concatenate([sa, aa, ones, zpad], axis=0)
    tb = jnp.concatenate([sb, ab, ones, zpad], axis=0)
    out_ref[0] = ta.T
    out_ref[1] = tb.T


def _edge_stage(edge_scalars, edge_attr, rad_w1, rad_b1, ln_g, ln_b,
                part, nparts):
    e, fc = edge_scalars.shape
    e2 = e // 2
    e2s = e2 // nparts
    es_t = edge_scalars.T
    a_row = edge_attr.T
    z = jnp.zeros((fc, fc), jnp.float32)
    w1t = rad_w1.T
    wt = jnp.block([[w1t, z], [z, w1t]])
    ones_avg = jnp.full((fc, fc), 1.0 / fc, jnp.float32)
    mavg = jnp.block([[ones_avg, z], [z, ones_avg]])
    bt = jnp.concatenate([rad_b1, rad_b1])[:, None]
    gt = jnp.concatenate([ln_g, ln_g])[:, None]
    lbt = jnp.concatenate([ln_b, ln_b])[:, None]
    bp = 3200
    assert e2s % bp == 0
    grid = e2s // bp
    gall = e2 // bp
    base = part * grid
    d2 = 2 * fc
    return pl.pallas_call(
        functools.partial(_edge_mlp_kernel, fc=fc),
        grid=(grid,),
        in_specs=[
            pl.BlockSpec((fc, bp), lambda i, b=base: (0, i + b)),
            pl.BlockSpec((fc, bp), lambda i, b=base, g=gall: (0, i + b + g)),
            pl.BlockSpec((1, bp), lambda i, b=base: (0, i + b)),
            pl.BlockSpec((1, bp), lambda i, b=base, g=gall: (0, i + b + g)),
            pl.BlockSpec((d2, d2), lambda i: (0, 0)),
            pl.BlockSpec((d2, 1), lambda i: (0, 0)),
            pl.BlockSpec((d2, 1), lambda i: (0, 0)),
            pl.BlockSpec((d2, 1), lambda i: (0, 0)),
            pl.BlockSpec((d2, d2), lambda i: (0, 0)),
        ],
        out_specs=pl.BlockSpec((2, bp, d2), lambda i: (0, i, 0)),
        out_shape=jax.ShapeDtypeStruct((2, e2s, d2), jnp.float32),
    )(es_t, es_t, a_row, a_row, wt, bt, gt, lbt, mavg)



def _sc_scatter_kernel(payload_hbm, dst_hbm, zeros_hbm, out_hbm,
                       pbuf, ibuf, pbuf_t, ibuf_t, acc, psem0, psem1,
                       isem0, isem1,
                       *, e2, ebase, per_tile, n_per_tile, chunk, tail):
    c = lax.axis_index("c")
    s = lax.axis_index("s")
    pltpu.sync_copy(zeros_hbm, acc.at[pl.ds(s * n_per_tile, n_per_tile), :])
    plsc.subcore_barrier()
    base = s * per_tile
    units = per_tile // chunk
    psems = (psem0, psem1)
    isems = (isem0, isem1)

    def start_load(u, slot):
        off = base + u * chunk
        pltpu.async_copy(payload_hbm.at[c, pl.ds(off, chunk), :],
                         pbuf.at[slot], psems[slot])
        pltpu.async_copy(dst_hbm.at[pl.ds(c * e2 + ebase + off, chunk)],
                         ibuf.at[slot], isems[slot])

    def do_scatter(slot):
        pltpu.make_async_copy(payload_hbm.at[c, pl.ds(0, chunk), :],
                              pbuf.at[slot], psems[slot]).wait()
        pltpu.make_async_copy(dst_hbm.at[pl.ds(0, chunk)], ibuf.at[slot],
                              isems[slot]).wait()
        pltpu.sync_copy(pbuf.at[slot], acc.at[ibuf.at[slot]], add=True)

    start_load(0, 0)

    def body(g, _):
        u = 2 * g
        start_load(u + 1, 1)
        do_scatter(0)

        @pl.when(u + 2 < units)
        def _():
            start_load(u + 2, 0)

        do_scatter(1)
        return 0

    lax.fori_loop(0, units // 2, body, 0)
    if units % 2:
        do_scatter(0)
    if tail:
        off = base + units * chunk
        pltpu.sync_copy(payload_hbm.at[c, pl.ds(off, tail), :], pbuf_t)
        pltpu.sync_copy(dst_hbm.at[pl.ds(c * e2 + ebase + off, tail)], ibuf_t)
        pltpu.sync_copy(pbuf_t, acc.at[ibuf_t], add=True)
    plsc.subcore_barrier()
    pltpu.sync_copy(acc.at[pl.ds(s * n_per_tile, n_per_tile), :],
                    out_hbm.at[c, pl.ds(s * n_per_tile, n_per_tile), :])


def _scatter_stage(payload, edge_dst, n, part, nparts):
    _, e2s, d2 = payload.shape
    e2 = e2s * nparts
    ebase = part * e2s
    assert e2s % 16 == 0
    per_tile = e2s // 16
    chunk = 128
    tail = per_tile % chunk
    n_pad = ((n + 127) // 128) * 128
    n_per_tile = n_pad // 16
    zeros = jnp.zeros((n_per_tile, d2), jnp.float32)
    mesh = plsc.VectorSubcoreMesh(core_axis_name="c", subcore_axis_name="s")
    scratch = [
        pltpu.VMEM((2, chunk, d2), jnp.float32),
        pltpu.VMEM((2, chunk), jnp.int32),
        pltpu.VMEM((max(tail, 8), d2), jnp.float32),
        pltpu.VMEM((max(tail, 8),), jnp.int32),
        pltpu.VMEM_SHARED((n_pad, d2), jnp.float32),
        pltpu.SemaphoreType.DMA,
        pltpu.SemaphoreType.DMA,
        pltpu.SemaphoreType.DMA,
        pltpu.SemaphoreType.DMA,
    ]
    kern = pl.kernel(
        functools.partial(_sc_scatter_kernel, e2=e2, ebase=ebase,
                          per_tile=per_tile, n_per_tile=n_per_tile,
                          chunk=chunk, tail=tail),
        out_type=jax.ShapeDtypeStruct((2, n_pad, d2), jnp.float32),
        mesh=mesh,
        scratch_types=scratch,
    )
    return kern(payload, edge_dst, zeros)



def _proj_kernel(parta_ref, partb_ref, wexp_ref, bexp_ref, w2_ref, roff_ref,
                 wproj_ref, bproj_ref, out_ref, *, fc, d, avg_agg):
    p = (parta_ref[0] + parta_ref[1]) + (partb_ref[0] + partb_ref[1])
    s = p[:, :fc]
    a = p[:, fc:fc + 1]
    cnt = p[:, fc + 1:fc + 2]
    v = wexp_ref[...][0] + bexp_ref[...]
    wc = jnp.dot(w2_ref[...] * v[None, :], wproj_ref[...],
                 preferred_element_type=jnp.float32)
    rvec = jnp.dot((v * roff_ref[...])[None, :], wproj_ref[...],
                   preferred_element_type=jnp.float32)
    scale = 1.0 / (math.sqrt(d) * math.sqrt(avg_agg))
    out = (jnp.dot(s, wc, preferred_element_type=jnp.float32) + a * rvec) * scale
    out = out + cnt * (bproj_ref[...][None, :] / math.sqrt(avg_agg))
    out_ref[...] = out


def _proj_stage(parta, partb, n, w_exp, b_exp, rad_w2, rad_offset, w_proj,
                b_proj, avg_agg):
    _, _, d = parta.shape
    fc = rad_w2.shape[0]
    bn = 2000
    assert n % bn == 0
    grid = n // bn
    return pl.pallas_call(
        functools.partial(_proj_kernel, fc=fc, d=d, avg_agg=avg_agg),
        grid=(grid,),
        in_specs=[
            pl.BlockSpec((2, bn, d), lambda i: (0, i, 0)),
            pl.BlockSpec((2, bn, d), lambda i: (0, i, 0)),
            pl.BlockSpec((1, d), lambda i: (0, 0)),
            pl.BlockSpec((d,), lambda i: (0,)),
            pl.BlockSpec((fc, d), lambda i: (0, 0)),
            pl.BlockSpec((d,), lambda i: (0,)),
            pl.BlockSpec((d, d), lambda i: (0, 0)),
            pl.BlockSpec((d,), lambda i: (0,)),
        ],
        out_specs=pl.BlockSpec((bn, d), lambda i: (i, 0)),
        out_shape=jax.ShapeDtypeStruct((n, d), jnp.float32),
    )(parta, partb, w_exp, b_exp, rad_w2, rad_offset, w_proj, b_proj)


def kernel(node_input, edge_attr, edge_scalars, edge_src, edge_dst, batch,
           w_exp, b_exp, rad_w1, rad_b1, ln_g, ln_b, rad_w2, rad_offset,
           w_proj, b_proj):
    n = node_input.shape[0]
    avg_agg = 32.0
    pay_a = _edge_stage(edge_scalars, edge_attr, rad_w1, rad_b1, ln_g, ln_b,
                        0, 2)
    part_a = _scatter_stage(pay_a, edge_dst, n, 0, 2)
    pay_b = _edge_stage(edge_scalars, edge_attr, rad_w1, rad_b1, ln_g, ln_b,
                        1, 2)
    part_b = _scatter_stage(pay_b, edge_dst, n, 1, 2)
    return _proj_stage(part_a, part_b, n, w_exp, b_exp, rad_w2, rad_offset,
                       w_proj, b_proj, avg_agg)

# --- scband reference (transcript-rebuilt; emitter-appended) ---
"""Pipeline reference for scband-edge-degree-embedding-network-16183436771998 (READ-ONLY COPY).

The authoritative reference and input builder live on the scoring server;
editing this copy changes nothing except your own understanding.
"""

import jax, jax.numpy as jnp
import numpy as np

N = 10000
E = 320000
D = 128
FC = 64
AVG_AGG = 32.0


def setup_inputs(seed: int = 0) -> dict:
    key = jax.random.key(seed)
    ks = jax.random.split(key, 16)
    node_input = jax.random.normal(ks[0], (N, D), dtype=jnp.float32)
    edge_attr = jax.random.normal(ks[1], (E, 1), dtype=jnp.float32)
    edge_scalars = jax.random.normal(ks[2], (E, FC), dtype=jnp.float32)
    edge_src = jax.random.randint(ks[3], (E,), 0, N, dtype=jnp.int32)
    edge_dst = jax.random.randint(ks[4], (E,), 0, N, dtype=jnp.int32)
    batch = jnp.zeros((N,), dtype=jnp.int32)
    # learned parameters
    w_exp = jax.random.normal(ks[5], (1, D), dtype=jnp.float32)
    b_exp = jnp.zeros((D,), dtype=jnp.float32)
    rad_w1 = jax.random.normal(ks[6], (FC, FC), dtype=jnp.float32) / np.sqrt(FC)
    rad_b1 = jnp.zeros((FC,), dtype=jnp.float32)
    ln_g = jnp.ones((FC,), dtype=jnp.float32)
    ln_b = jnp.zeros((FC,), dtype=jnp.float32)
    rad_w2 = jax.random.normal(ks[7], (FC, D), dtype=jnp.float32) / np.sqrt(FC)
    rad_offset = jnp.zeros((D,), dtype=jnp.float32)
    w_proj = jax.random.normal(ks[8], (D, D), dtype=jnp.float32)
    b_proj = jnp.zeros((D,), dtype=jnp.float32)
    return {
        "node_input": node_input, "edge_attr": edge_attr, "edge_scalars": edge_scalars,
        "edge_src": edge_src, "edge_dst": edge_dst, "batch": batch,
        "w_exp": w_exp, "b_exp": b_exp,
        "rad_w1": rad_w1, "rad_b1": rad_b1, "ln_g": ln_g, "ln_b": ln_b,
        "rad_w2": rad_w2, "rad_offset": rad_offset,
        "w_proj": w_proj, "b_proj": b_proj,
    }


def reference(node_input, edge_attr, edge_scalars, edge_src, edge_dst, batch,
              w_exp, b_exp, rad_w1, rad_b1, ln_g, ln_b, rad_w2, rad_offset,
              w_proj, b_proj):
    # self.exp: LinearRS(1x0e -> 128x0e) applied to ones_like(node_input[:, :1])
    ones = jnp.ones_like(node_input[:, :1])
    node_features = ones @ w_exp + b_exp  # fan_in = 1, rescale is identity
    # self.rad: RadialProfile [FC -> FC (Linear, LayerNorm, SiLU) -> weight_numel] + offset
    h = edge_scalars @ rad_w1 + rad_b1
    mu = jnp.mean(h, axis=-1, keepdims=True)
    var = jnp.var(h, axis=-1, keepdims=True)
    h = (h - mu) / jnp.sqrt(var + 1e-5) * ln_g + ln_b
    h = jax.nn.silu(h)
    weight = h @ rad_w2 + rad_offset  # [E, D] = per-edge depthwise tp weights
    # self.dw: depthwise tensor product; for 128x0e x 1x0e -> 128x0e (uvu) this is
    # a gather of src node features times edge scalar times per-path weight
    src_feat = jnp.take(node_features, edge_src, axis=0)  # gather [E, D]
    edge_features = src_feat * edge_attr * weight
    # self.proj: LinearRS(128x0e -> 128x0e) with rescale 1/sqrt(fan_in)
    edge_features = (edge_features @ w_proj) / jnp.sqrt(jnp.float32(D)) + b_proj
    # self.scale_scatter: scatter-add over edge_dst then divide by sqrt(avg_aggregate_num)
    out = jax.ops.segment_sum(edge_features, edge_dst, num_segments=N)
    out = out / jnp.sqrt(jnp.float32(AVG_AGG))
    return out

if __name__ == "__main__":
    import jax
    _d = setup_inputs()
    print(jax.jit(kernel)(*tuple(_d.values())))

</pallas_src>

<mosaic_0001>
#map = affine_map<(d0, d1) -> (0, 0, 0)>
#map1 = affine_map<(d0, d1) -> (0)>
#map2 = affine_map<(d0, d1) -> (0, 0)>
module attributes {stable_mosaic.version = 14 : i64} {
  func.func @_sc_scatter_kernel(%arg0: i32, %arg1: i32, %arg2: memref<2x80000x128xf32, #tpu.memory_space<hbm>>, %arg3: memref<320000xi32, #tpu.memory_space<hbm>>, %arg4: memref<632x128xf32, #tpu.memory_space<hbm>>, %arg5: memref<2x10112x128xf32, #tpu.memory_space<hbm>>, %arg6: memref<2x128x128xf32, #tpu.memory_space<vmem>>, %arg7: memref<2x128xi32, #tpu.memory_space<vmem>>, %arg8: memref<8x128xf32, #tpu.memory_space<vmem>>, %arg9: memref<8xi32, #tpu.memory_space<vmem>>, %arg10: memref<10112x128xf32, #tpu.memory_space<vmem_shared>>, %arg11: memref<!tpu.dma_semaphore, #tpu.memory_space<semaphore_mem>>, %arg12: memref<!tpu.dma_semaphore, #tpu.memory_space<semaphore_mem>>, %arg13: memref<!tpu.dma_semaphore, #tpu.memory_space<semaphore_mem>>, %arg14: memref<!tpu.dma_semaphore, #tpu.memory_space<semaphore_mem>>) attributes {dimension_semantics = [#tpu.dimension_semantics<core_parallel>, #tpu.dimension_semantics<subcore_parallel>], iteration_bounds = array<i64: 2, 16>, scalar_prefetch = 0 : i64, scratch_operands = 9 : i64, tpu.core_type = #tpu.core_type<sc_vector_subcore>, window_params = [{transform_indices = #map}, {transform_indices = #map1}, {transform_indices = #map2}, {transform_indices = #map}]} {
    %mul3A = arith.constant 632 : i32
    %mul3A_0 = arith.muli %arg1, %mul3A : i32
    "tpu.region"() ({
      %run_scoped3A_78 = tpu.sem_alloc : memref<!tpu.dma_semaphore, #tpu.memory_space<semaphore_mem>>
      %dma_start3A_79 = arith.constant 0 : i32
      %dma_start3A_80 = tpu.memref_slice %arg10[%mul3A_0, %dma_start3A_79] : memref<10112x128xf32, #tpu.memory_space<vmem_shared>> -> memref<632x128xf32, #tpu.memory_space<vmem_shared>>
      tpu.enqueue_dma source(%arg4 : memref<632x128xf32, #tpu.memory_space<hbm>>) target(%dma_start3A_80 : memref<632x128xf32, #tpu.memory_space<vmem_shared>>) target_semaphore(%run_scoped3A_78 : memref<!tpu.dma_semaphore, #tpu.memory_space<semaphore_mem>>)
      %dma_wait3A_81 = arith.constant 0 : i32
      %dma_wait3A_82 = tpu.memref_slice %arg10[%mul3A_0, %dma_wait3A_81] : memref<10112x128xf32, #tpu.memory_space<vmem_shared>> -> memref<632x128xf32, #tpu.memory_space<vmem_shared>>
      tpu.wait_dma2 semaphore(%run_scoped3A_78 : memref<!tpu.dma_semaphore, #tpu.memory_space<semaphore_mem>>) src(%arg4 : memref<632x128xf32, #tpu.memory_space<hbm>>) dst(%dma_wait3A_82 : memref<632x128xf32, #tpu.memory_space<vmem_shared>>)
      tpu.yield
    }) : () -> ()
    %barrier3A = arith.constant 0 : index
    tpu.barrier barrier_id(%barrier3A)
    %mul3A_1 = arith.constant 5000 : i32
    %mul3A_2 = arith.muli %arg1, %mul3A_1 : i32
    %add3A = arith.constant 0 : i32
    %add3A_3 = arith.addi %mul3A_2, %add3A : i32
    %dma_start3A = arith.constant 0 : i32
    %dma_start3A_4 = arith.constant 0 : i32
    %dma_start3A_5 = arith.constant 0 : i32
    %dma_start3A_6 = tpu.memref_slice %arg6[%dma_start3A, %dma_start3A_4, %dma_start3A_5] : memref<2x128x128xf32, #tpu.memory_space<vmem>> -> memref<1x128x128xf32, #tpu.memory_space<vmem>>
    %dma_start3A_7 = tpu.memref_squeeze %dma_start3A_6 : memref<1x128x128xf32, #tpu.memory_space<vmem>> -> memref<128x128xf32, #tpu.memory_space<vmem>>
    %dma_start3A_8 = arith.constant 0 : i32
    %dma_start3A_9 = tpu.memref_slice %arg2[%arg0, %add3A_3, %dma_start3A_8] : memref<2x80000x128xf32, #tpu.memory_space<hbm>> -> memref<1x128x128xf32, #tpu.memory_space<hbm>>
    %dma_start3A_10 = tpu.memref_squeeze %dma_start3A_9 : memref<1x128x128xf32, #tpu.memory_space<hbm>> -> memref<128x128xf32, #tpu.memory_space<hbm>>
    %dma_start3A_11 = arith.constant 0 : i32
    %dma_start3A_12 = arith.constant 0 : i32
    %dma_start3A_13 = tpu.memref_slice %arg6[%dma_start3A, %dma_start3A_11, %dma_start3A_12] : memref<2x128x128xf32, #tpu.memory_space<vmem>> -> memref<1x128x128xf32, #tpu.memory_space<vmem>>
    %dma_start3A_14 = tpu.memref_squeeze %dma_start3A_13 : memref<1x128x128xf32, #tpu.memory_space<vmem>> -> memref<128x128xf32, #tpu.memory_space<vmem>>
    %dma_start3A_15 = arith.constant 0 : i32
    %dma_start3A_16 = tpu.memref_slice %arg2[%arg0, %add3A_3, %dma_start3A_15] : memref<2x80000x128xf32, #tpu.memory_space<hbm>> -> memref<1x128x128xf32, #tpu.memory_space<hbm>>
    %dma_start3A_17 = tpu.memref_squeeze %dma_start3A_16 : memref<1x128x128xf32, #tpu.memory_space<hbm>> -> memref<128x128xf32, #tpu.memory_space<hbm>>
    tpu.enqueue_dma source(%dma_start3A_17 : memref<128x128xf32, #tpu.memory_space<hbm>>) target(%dma_start3A_14 : memref<128x128xf32, #tpu.memory_space<vmem>>) target_semaphore(%arg11 : memref<!tpu.dma_semaphore, #tpu.memory_space<semaphore_mem>>)
    %mul3A_18 = arith.constant 160000 : i32
    %mul3A_19 = arith.muli %arg0, %mul3A_18 : i32
    %add3A_20 = arith.constant 80000 : i32
    %add3A_21 = arith.addi %mul3A_19, %add3A_20 : i32
    %add3A_22 = arith.addi %add3A_21, %add3A_3 : i32
    %dma_start3A_23 = arith.constant 0 : i32
    %dma_start3A_24 = arith.constant 0 : i32
    %dma_start3A_25 = tpu.memref_slice %arg7[%dma_start3A_23, %dma_start3A_24] : memref<2x128xi32, #tpu.memory_space<vmem>> -> memref<1x128xi32, #tpu.memory_space<vmem>>
    %dma_start3A_26 = tpu.memref_squeeze %dma_start3A_25 : memref<1x128xi32, #tpu.memory_space<vmem>> -> memref<128xi32, #tpu.memory_space<vmem>>
    %dma_start3A_27 = tpu.memref_slice %arg3[%add3A_22] : memref<320000xi32, #tpu.memory_space<hbm>> -> memref<128xi32, #tpu.memory_space<hbm>>
    %dma_start3A_28 = arith.constant 0 : i32
    %dma_start3A_29 = tpu.memref_slice %arg7[%dma_start3A_23, %dma_start3A_28] : memref<2x128xi32, #tpu.memory_space<vmem>> -> memref<1x128xi32, #tpu.memory_space<vmem>>
    %dma_start3A_30 = tpu.memref_squeeze %dma_start3A_29 : memref<1x128xi32, #tpu.memory_space<vmem>> -> memref<128xi32, #tpu.memory_space<vmem>>
    %dma_start3A_31 = tpu.memref_slice %arg3[%add3A_22] : memref<320000xi32, #tpu.memory_space<hbm>> -> memref<128xi32, #tpu.memory_space<hbm>>
    tpu.enqueue_dma source(%dma_start3A_31 : memref<128xi32, #tpu.memory_space<hbm>>) target(%dma_start3A_30 : memref<128xi32, #tpu.memory_space<vmem>>) target_semaphore(%arg13 : memref<!tpu.dma_semaphore, #tpu.memory_space<semaphore_mem>>)
    %scan3A = arith.constant 0 : i32
    %scan3A_32 = arith.constant 0 : i32
    %scan3A_33 = arith.constant 19 : i32
    %scan3A_34 = arith.addi %scan3A_32, %scan3A_33 : i32
    %scan3A_35 = arith.constant 1 : i32
    %scan3A_36 = scf.for %scan3A_78 = %scan3A_32 to %scan3A_34 step %scan3A_35 iter_args(%scan3A_79 = %scan3A) -> (i32)  : i32 {
      %mul3A_80 = arith.constant 2 : i32
      %mul3A_81 = arith.muli %mul3A_80, %scan3A_78 : i32
      %add3A_82 = arith.constant 1 : i32
      %add3A_83 = arith.addi %mul3A_81, %add3A_82 : i32
      %mul3A_84 = arith.constant 128 : i32
      %mul3A_85 = arith.muli %add3A_83, %mul3A_84 : i32
      %add3A_86 = arith.addi %mul3A_2, %mul3A_85 : i32
      %dma_start3A_87 = arith.constant 1 : i32
      %dma_start3A_88 = arith.constant 0 : i32
      %dma_start3A_89 = arith.constant 0 : i32
      %dma_start3A_90 = tpu.memref_slice %arg6[%dma_start3A_87, %dma_start3A_88, %dma_start3A_89] : memref<2x128x128xf32, #tpu.memory_space<vmem>> -> memref<1x128x128xf32, #tpu.memory_space<vmem>>
      %dma_start3A_91 = tpu.memref_squeeze %dma_start3A_90 : memref<1x128x128xf32, #tpu.memory_space<vmem>> -> memref<128x128xf32, #tpu.memory_space<vmem>>
      %dma_start3A_92 = arith.constant 0 : i32
      %dma_start3A_93 = tpu.memref_slice %arg2[%arg0, %add3A_86, %dma_start3A_92] : memref<2x80000x128xf32, #tpu.memory_space<hbm>> -> memref<1x128x128xf32, #tpu.memory_space<hbm>>
      %dma_start3A_94 = tpu.memref_squeeze %dma_start3A_93 : memref<1x128x128xf32, #tpu.memory_space<hbm>> -> memref<128x128xf32, #tpu.memory_space<hbm>>
      %dma_start3A_95 = arith.constant 0 : i32
      %dma_start3A_96 = arith.constant 0 : i32
      %dma_start3A_97 = tpu.memref_slice %arg6[%dma_start3A_87, %dma_start3A_95, %dma_start3A_96] : memref<2x128x128xf32, #tpu.memory_space<vmem>> -> memref<1x128x128xf32, #tpu.memory_space<vmem>>
      %dma_start3A_98 = tpu.memref_squeeze %dma_start3A_97 : memref<1x128x128xf32, #tpu.memory_space<vmem>> -> memref<128x128xf32, #tpu.memory_space<vmem>>
      %dma_start3A_99 = arith.constant 0 : i32
      %dma_start3A_100 = tpu.memref_slice %arg2[%arg0, %add3A_86, %dma_start3A_99] : memref<2x80000x128xf32, #tpu.memory_space<hbm>> -> memref<1x128x128xf32, #tpu.memory_space<hbm>>
      %dma_start3A_101 = tpu.memref_squeeze %dma_start3A_100 : memref<1x128x128xf32, #tpu.memory_space<hbm>> -> memref<128x128xf32, #tpu.memory_space<hbm>>
      tpu.enqueue_dma source(%dma_start3A_101 : memref<128x128xf32, #tpu.memory_space<hbm>>) target(%dma_start3A_98 : memref<128x128xf32, #tpu.memory_space<vmem>>) target_semaphore(%arg12 : memref<!tpu.dma_semaphore, #tpu.memory_space<semaphore_mem>>)
      %mul3A_102 = arith.constant 160000 : i32
      %mul3A_103 = arith.muli %arg0, %mul3A_102 : i32
      %add3A_104 = arith.constant 80000 : i32
      %add3A_105 = arith.addi %mul3A_103, %add3A_104 : i32
      %add3A_106 = arith.addi %add3A_105, %add3A_86 : i32
      %dma_start3A_107 = arith.constant 1 : i32
      %dma_start3A_108 = arith.constant 0 : i32
      %dma_start3A_109 = tpu.memref_slice %arg7[%dma_start3A_107, %dma_start3A_108] : memref<2x128xi32, #tpu.memory_space<vmem>> -> memref<1x128xi32, #tpu.memory_space<vmem>>
      %dma_start3A_110 = tpu.memref_squeeze %dma_start3A_109 : memref<1x128xi32, #tpu.memory_space<vmem>> -> memref<128xi32, #tpu.memory_space<vmem>>
      %dma_start3A_111 = tpu.memref_slice %arg3[%add3A_106] : memref<320000xi32, #tpu.memory_space<hbm>> -> memref<128xi32, #tpu.memory_space<hbm>>
      %dma_start3A_112 = arith.constant 0 : i32
      %dma_start3A_113 = tpu.memref_slice %arg7[%dma_start3A_107, %dma_start3A_112] : memref<2x128xi32, #tpu.memory_space<vmem>> -> memref<1x128xi32, #tpu.memory_space<vmem>>
      %dma_start3A_114 = tpu.memref_squeeze %dma_start3A_113 : memref<1x128xi32, #tpu.memory_space<vmem>> -> memref<128xi32, #tpu.memory_space<vmem>>
      %dma_start3A_115 = tpu.memref_slice %arg3[%add3A_106] : memref<320000xi32, #tpu.memory_space<hbm>> -> memref<128xi32, #tpu.memory_space<hbm>>
      tpu.enqueue_dma source(%dma_start3A_115 : memref<128xi32, #tpu.memory_space<hbm>>) target(%dma_start3A_114 : memref<128xi32, #tpu.memory_space<vmem>>) target_semaphore(%arg14 : memref<!tpu.dma_semaphore, #tpu.memory_space<semaphore_mem>>)
      %dma_wait3A_116 = arith.constant 0 : i32
      %dma_wait3A_117 = arith.constant 0 : i32
      %dma_wait3A_118 = arith.constant 0 : i32
      %dma_wait3A_119 = tpu.memref_slice %arg6[%dma_wait3A_116, %dma_wait3A_117, %dma_wait3A_118] : memref<2x128x128xf32, #tpu.memory_space<vmem>> -> memref<1x128x128xf32, #tpu.memory_space<vmem>>
      %dma_wait3A_120 = tpu.memref_squeeze %dma_wait3A_119 : memref<1x128x128xf32, #tpu.memory_space<vmem>> -> memref<128x128xf32, #tpu.memory_space<vmem>>
      %dma_wait3A_121 = arith.constant 0 : i32
      %dma_wait3A_122 = arith.constant 0 : i32
      %dma_wait3A_123 = tpu.memref_slice %arg2[%arg0, %dma_wait3A_121, %dma_wait3A_122] : memref<2x80000x128xf32, #tpu.memory_space<hbm>> -> memref<1x128x128xf32, #tpu.memory_space<hbm>>
      %dma_wait3A_124 = tpu.memref_squeeze %dma_wait3A_123 : memref<1x128x128xf32, #tpu.memory_space<hbm>> -> memref<128x128xf32, #tpu.memory_space<hbm>>
      %dma_wait3A_125 = arith.constant 0 : i32
      %dma_wait3A_126 = arith.constant 0 : i32
      %dma_wait3A_127 = tpu.memref_slice %arg6[%dma_wait3A_116, %dma_wait3A_125, %dma_wait3A_126] : memref<2x128x128xf32, #tpu.memory_space<vmem>> -> memref<1x128x128xf32, #tpu.memory_space<vmem>>
      %dma_wait3A_128 = tpu.memref_squeeze %dma_wait3A_127 : memref<1x128x128xf32, #tpu.memory_space<vmem>> -> memref<128x128xf32, #tpu.memory_space<vmem>>
      %dma_wait3A_129 = arith.constant 0 : i32
      %dma_wait3A_130 = arith.constant 0 : i32
      %dma_wait3A_131 = tpu.memref_slice %arg2[%arg0, %dma_wait3A_129, %dma_wait3A_130] : memref<2x80000x128xf32, #tpu.memory_space<hbm>> -> memref<1x128x128xf32, #tpu.memory_space<hbm>>
      %dma_wait3A_132 = tpu.memref_squeeze %dma_wait3A_131 : memref<1x128x128xf32, #tpu.memory_space<hbm>> -> memref<128x128xf32, #tpu.memory_space<hbm>>
      tpu.wait_dma2 semaphore(%arg11 : memref<!tpu.dma_semaphore, #tpu.memory_space<semaphore_mem>>) src(%dma_wait3A_132 : memref<128x128xf32, #tpu.memory_space<hbm>>) dst(%dma_wait3A_128 : memref<128x128xf32, #tpu.memory_space<vmem>>)
      %dma_wait3A_133 = arith.constant 0 : i32
      %dma_wait3A_134 = arith.constant 0 : i32
      %dma_wait3A_135 = tpu.memref_slice %arg7[%dma_wait3A_133, %dma_wait3A_134] : memref<2x128xi32, #tpu.memory_space<vmem>> -> memref<1x128xi32, #tpu.memory_space<vmem>>
      %dma_wait3A_136 = tpu.memref_squeeze %dma_wait3A_135 : memref<1x128xi32, #tpu.memory_space<vmem>> -> memref<128xi32, #tpu.memory_space<vmem>>
      %dma_wait3A_137 = arith.constant 0 : i32
      %dma_wait3A_138 = tpu.memref_slice %arg3[%dma_wait3A_137] : memref<320000xi32, #tpu.memory_space<hbm>> -> memref<128xi32, #tpu.memory_space<hbm>>
      %dma_wait3A_139 = arith.constant 0 : i32
      %dma_wait3A_140 = tpu.memref_slice %arg7[%dma_wait3A_133, %dma_wait3A_139] : memref<2x128xi32, #tpu.memory_space<vmem>> -> memref<1x128xi32, #tpu.memory_space<vmem>>
      %dma_wait3A_141 = tpu.memref_squeeze %dma_wait3A_140 : memref<1x128xi32, #tpu.memory_space<vmem>> -> memref<128xi32, #tpu.memory_space<vmem>>
      %dma_wait3A_142 = arith.constant 0 : i32
      %dma_wait3A_143 = tpu.memref_slice %arg3[%dma_wait3A_142] : memref<320000xi32, #tpu.memory_space<hbm>> -> memref<128xi32, #tpu.memory_space<hbm>>
      tpu.wait_dma2 semaphore(%arg13 : memref<!tpu.dma_semaphore, #tpu.memory_space<semaphore_mem>>) src(%dma_wait3A_143 : memref<128xi32, #tpu.memory_space<hbm>>) dst(%dma_wait3A_141 : memref<128xi32, #tpu.memory_space<vmem>>)
      %run_scoped3A_144 = arith.constant 0 : i32
      %run_scoped3A_145 = arith.constant 0 : i32
      "tpu.region"() ({
        %run_scoped3A_181 = tpu.sem_alloc : memref<!tpu.dma_semaphore, #tpu.memory_space<semaphore_mem>>
        %dma_start3A_182 = arith.constant 0 : i32
        %dma_start3A_183 = arith.constant 0 : i32
        %dma_start3A_184 = tpu.memref_slice %arg6[%run_scoped3A_144, %dma_start3A_182, %dma_start3A_183] : memref<2x128x128xf32, #tpu.memory_space<vmem>> -> memref<1x128x128xf32, #tpu.memory_space<vmem>>
        %dma_start3A_185 = tpu.memref_squeeze %dma_start3A_184 : memref<1x128x128xf32, #tpu.memory_space<vmem>> -> memref<128x128xf32, #tpu.memory_space<vmem>>
        %dma_start3A_186 = arith.constant 0 : i32
        %dma_start3A_187 = tpu.memref_slice %arg7[%run_scoped3A_145, %dma_start3A_186] : memref<2x128xi32, #tpu.memory_space<vmem>> -> memref<1x128xi32, #tpu.memory_space<vmem>>
        %dma_start3A_188 = tpu.memref_squeeze %dma_start3A_187 : memref<1x128xi32, #tpu.memory_space<vmem>> -> memref<128xi32, #tpu.memory_space<vmem>>
        %dma_start3A_189 = arith.constant 0 : i32
        %dma_start3A_190 = arith.constant 0 : i32
        %dma_start3A_191 = tpu.memref_slice %arg10[%dma_start3A_189, %dma_start3A_190] : memref<10112x128xf32, #tpu.memory_space<vmem_shared>> -> memref<10112x128xf32, #tpu.memory_space<vmem_shared>>
        tpu.enqueue_indirect_dma source(%dma_start3A_185 : memref<128x128xf32, #tpu.memory_space<vmem>>) target(%dma_start3A_191 : memref<10112x128xf32, #tpu.memory_space<vmem_shared>>) offsets(%dma_start3A_188 : memref<128xi32, #tpu.memory_space<vmem>>) semaphore(%run_scoped3A_181 : memref<!tpu.dma_semaphore, #tpu.memory_space<semaphore_mem>>) {add = true}
        %dma_wait3A_192 = arith.constant 0 : i32
        %dma_wait3A_193 = arith.constant 0 : i32
        %dma_wait3A_194 = tpu.memref_slice %arg6[%run_scoped3A_144, %dma_wait3A_192, %dma_wait3A_193] : memref<2x128x128xf32, #tpu.memory_space<vmem>> -> memref<1x128x128xf32, #tpu.memory_space<vmem>>
        %dma_wait3A_195 = tpu.memref_squeeze %dma_wait3A_194 : memref<1x128x128xf32, #tpu.memory_space<vmem>> -> memref<128x128xf32, #tpu.memory_space<vmem>>
        %dma_wait3A_196 = arith.constant 0 : i32
        %dma_wait3A_197 = tpu.memref_slice %arg7[%run_scoped3A_145, %dma_wait3A_196] : memref<2x128xi32, #tpu.memory_space<vmem>> -> memref<1x128xi32, #tpu.memory_space<vmem>>
        %dma_wait3A_198 = tpu.memref_squeeze %dma_wait3A_197 : memref<1x128xi32, #tpu.memory_space<vmem>> -> memref<128xi32, #tpu.memory_space<vmem>>
        %dma_wait3A_199 = arith.constant 0 : i32
        %dma_wait3A_200 = arith.constant 0 : i32
        %dma_wait3A_201 = tpu.memref_slice %arg10[%dma_wait3A_199, %dma_wait3A_200] : memref<10112x128xf32, #tpu.memory_space<vmem_shared>> -> memref<10112x128xf32, #tpu.memory_space<vmem_shared>>
        tpu.wait_indirect_dma semaphore(%run_scoped3A_181 : memref<!tpu.dma_semaphore, #tpu.memory_space<semaphore_mem>>) src(%dma_wait3A_195 : memref<128x128xf32, #tpu.memory_space<vmem>>) dst(%dma_wait3A_201 : memref<10112x128xf32, #tpu.memory_space<vmem_shared>>)
        tpu.yield
      }) : () -> ()
      %add3A_146 = arith.constant 2 : i32
      %add3A_147 = arith.addi %mul3A_81, %add3A_146 : i32
      %lt3A = arith.constant 39 : i32
      %lt3A_148 = arith.cmpi slt, %add3A_147, %lt3A : i32
      %convert_element_type3A = arith.extui %lt3A_148 : i1 to i32
      %cond3A = arith.constant 0 : i32
      %cond3A_149 = arith.cmpi ne, %convert_element_type3A, %cond3A : i32
      scf.if %cond3A_149 {
        %add3A_181 = arith.constant 2 : i32
        %add3A_182 = arith.addi %mul3A_81, %add3A_181 : i32
        %mul3A_183 = arith.constant 128 : i32
        %mul3A_184 = arith.muli %add3A_182, %mul3A_183 : i32
        %add3A_185 = arith.addi %mul3A_2, %mul3A_184 : i32
        %dma_start3A_186 = arith.constant 0 : i32
        %dma_start3A_187 = arith.constant 0 : i32
        %dma_start3A_188 = arith.constant 0 : i32
        %dma_start3A_189 = tpu.memref_slice %arg6[%dma_start3A_186, %dma_start3A_187, %dma_start3A_188] : memref<2x128x128xf32, #tpu.memory_space<vmem>> -> memref<1x128x128xf32, #tpu.memory_space<vmem>>
        %dma_start3A_190 = tpu.memref_squeeze %dma_start3A_189 : memref<1x128x128xf32, #tpu.memory_space<vmem>> -> memref<128x128xf32, #tpu.memory_space<vmem>>
        %dma_start3A_191 = arith.constant 0 : i32
        %dma_start3A_192 = tpu.memref_slice %arg2[%arg0, %add3A_185, %dma_start3A_191] : memref<2x80000x128xf32, #tpu.memory_space<hbm>> -> memref<1x128x128xf32, #tpu.memory_space<hbm>>
        %dma_start3A_193 = tpu.memref_squeeze %dma_start3A_192 : memref<1x128x128xf32, #tpu.memory_space<hbm>> -> memref<128x128xf32, #tpu.memory_space<hbm>>
        %dma_start3A_194 = arith.constant 0 : i32
        %dma_start3A_195 = arith.constant 0 : i32
        %dma_start3A_196 = tpu.memref_slice %arg6[%dma_start3A_186, %dma_start3A_194, %dma_start3A_195] : memref<2x128x128xf32, #tpu.memory_space<vmem>> -> memref<1x128x128xf32, #tpu.memory_space<vmem>>
        %dma_start3A_197 = tpu.memref_squeeze %dma_start3A_196 : memref<1x128x128xf32, #tpu.memory_space<vmem>> -> memref<128x128xf32, #tpu.memory_space<vmem>>
        %dma_start3A_198 = arith.constant 0 : i32
        %dma_start3A_199 = tpu.memref_slice %arg2[%arg0, %add3A_185, %dma_start3A_198] : memref<2x80000x128xf32, #tpu.memory_space<hbm>> -> memref<1x128x128xf32, #tpu.memory_space<hbm>>
        %dma_start3A_200 = tpu.memref_squeeze %dma_start3A_199 : memref<1x128x128xf32, #tpu.memory_space<hbm>> -> memref<128x128xf32, #tpu.memory_space<hbm>>
        tpu.enqueue_dma source(%dma_start3A_200 : memref<128x128xf32, #tpu.memory_space<hbm>>) target(%dma_start3A_197 : memref<128x128xf32, #tpu.memory_space<vmem>>) target_semaphore(%arg11 : memref<!tpu.dma_semaphore, #tpu.memory_space<semaphore_mem>>)
        %mul3A_201 = arith.constant 160000 : i32
        %mul3A_202 = arith.muli %arg0, %mul3A_201 : i32
        %add3A_203 = arith.constant 80000 : i32
        %add3A_204 = arith.addi %mul3A_202, %add3A_203 : i32
        %add3A_205 = arith.addi %add3A_204, %add3A_185 : i32
        %dma_start3A_206 = arith.constant 0 : i32
        %dma_start3A_207 = arith.constant 0 : i32
        %dma_start3A_208 = tpu.memref_slice %arg7[%dma_start3A_206, %dma_start3A_207] : memref<2x128xi32, #tpu.memory_space<vmem>> -> memref<1x128xi32, #tpu.memory_space<vmem>>
        %dma_start3A_209 = tpu.memref_squeeze %dma_start3A_208 : memref<1x128xi32, #tpu.memory_space<vmem>> -> memref<128xi32, #tpu.memory_space<vmem>>
        %dma_start3A_210 = tpu.memref_slice %arg3[%add3A_205] : memref<320000xi32, #tpu.memory_space<hbm>> -> memref<128xi32, #tpu.memory_space<hbm>>
        %dma_start3A_211 = arith.constant 0 : i32
        %dma_start3A_212 = tpu.memref_slice %arg7[%dma_start3A_206, %dma_start3A_211] : memref<2x128xi32, #tpu.memory_space<vmem>> -> memref<1x128xi32, #tpu.memory_space<vmem>>
        %dma_start3A_213 = tpu.memref_squeeze %dma_start3A_212 : memref<1x128xi32, #tpu.memory_space<vmem>> -> memref<128xi32, #tpu.memory_space<vmem>>
        %dma_start3A_214 = tpu.memref_slice %arg3[%add3A_205] : memref<320000xi32, #tpu.memory_space<hbm>> -> memref<128xi32, #tpu.memory_space<hbm>>
        tpu.enqueue_dma source(%dma_start3A_214 : memref<128xi32, #tpu.memory_space<hbm>>) target(%dma_start3A_213 : memref<128xi32, #tpu.memory_space<vmem>>) target_semaphore(%arg13 : memref<!tpu.dma_semaphore, #tpu.memory_space<semaphore_mem>>)
      } else {
      }
      %dma_wait3A_150 = arith.constant 1 : i32
      %dma_wait3A_151 = arith.constant 0 : i32
      %dma_wait3A_152 = arith.constant 0 : i32
      %dma_wait3A_153 = tpu.memref_slice %arg6[%dma_wait3A_150, %dma_wait3A_151, %dma_wait3A_152] : memref<2x128x128xf32, #tpu.memory_space<vmem>> -> memref<1x128x128xf32, #tpu.memory_space<vmem>>
      %dma_wait3A_154 = tpu.memref_squeeze %dma_wait3A_153 : memref<1x128x128xf32, #tpu.memory_space<vmem>> -> memref<128x128xf32, #tpu.memory_space<vmem>>
      %dma_wait3A_155 = arith.constant 0 : i32
      %dma_wait3A_156 = arith.constant 0 : i32
      %dma_wait3A_157 = tpu.memref_slice %arg2[%arg0, %dma_wait3A_155, %dma_wait3A_156] : memref<2x80000x128xf32, #tpu.memory_space<hbm>> -> memref<1x128x128xf32, #tpu.memory_space<hbm>>
      %dma_wait3A_158 = tpu.memref_squeeze %dma_wait3A_157 : memref<1x128x128xf32, #tpu.memory_space<hbm>> -> memref<128x128xf32, #tpu.memory_space<hbm>>
      %dma_wait3A_159 = arith.constant 0 : i32
      %dma_wait3A_160 = arith.constant 0 : i32
      %dma_wait3A_161 = tpu.memref_slice %arg6[%dma_wait3A_150, %dma_wait3A_159, %dma_wait3A_160] : memref<2x128x128xf32, #tpu.memory_space<vmem>> -> memref<1x128x128xf32, #tpu.memory_space<vmem>>
      %dma_wait3A_162 = tpu.memref_squeeze %dma_wait3A_161 : memref<1x128x128xf32, #tpu.memory_space<vmem>> -> memref<128x128xf32, #tpu.memory_space<vmem>>
      %dma_wait3A_163 = arith.constant 0 : i32
      %dma_wait3A_164 = arith.constant 0 : i32
      %dma_wait3A_165 = tpu.memref_slice %arg2[%arg0, %dma_wait3A_163, %dma_wait3A_164] : memref<2x80000x128xf32, #tpu.memory_space<hbm>> -> memref<1x128x128xf32, #tpu.memory_space<hbm>>
      %dma_wait3A_166 = tpu.memref_squeeze %dma_wait3A_165 : memref<1x128x128xf32, #tpu.memory_space<hbm>> -> memref<128x128xf32, #tpu.memory_space<hbm>>
      tpu.wait_dma2 semaphore(%arg12 : memref<!tpu.dma_semaphore, #tpu.memory_space<semaphore_mem>>) src(%dma_wait3A_166 : memref<128x128xf32, #tpu.memory_space<hbm>>) dst(%dma_wait3A_162 : memref<128x128xf32, #tpu.memory_space<vmem>>)
      %dma_wait3A_167 = arith.constant 1 : i32
      %dma_wait3A_168 = arith.constant 0 : i32
      %dma_wait3A_169 = tpu.memref_slice %arg7[%dma_wait3A_167, %dma_wait3A_168] : memref<2x128xi32, #tpu.memory_space<vmem>> -> memref<1x128xi32, #tpu.memory_space<vmem>>
      %dma_wait3A_170 = tpu.memref_squeeze %dma_wait3A_169 : memref<1x128xi32, #tpu.memory_space<vmem>> -> memref<128xi32, #tpu.memory_space<vmem>>
      %dma_wait3A_171 = arith.constant 0 : i32
      %dma_wait3A_172 = tpu.memref_slice %arg3[%dma_wait3A_171] : memref<320000xi32, #tpu.memory_space<hbm>> -> memref<128xi32, #tpu.memory_space<hbm>>
      %dma_wait3A_173 = arith.constant 0 : i32
      %dma_wait3A_174 = tpu.memref_slice %arg7[%dma_wait3A_167, %dma_wait3A_173] : memref<2x128xi32, #tpu.memory_space<vmem>> -> memref<1x128xi32, #tpu.memory_space<vmem>>
      %dma_wait3A_175 = tpu.memref_squeeze %dma_wait3A_174 : memref<1x128xi32, #tpu.memory_space<vmem>> -> memref<128xi32, #tpu.memory_space<vmem>>
      %dma_wait3A_176 = arith.constant 0 : i32
      %dma_wait3A_177 = tpu.memref_slice %arg3[%dma_wait3A_176] : memref<320000xi32, #tpu.memory_space<hbm>> -> memref<128xi32, #tpu.memory_space<hbm>>
      tpu.wait_dma2 semaphore(%arg14 : memref<!tpu.dma_semaphore, #tpu.memory_space<semaphore_mem>>) src(%dma_wait3A_177 : memref<128xi32, #tpu.memory_space<hbm>>) dst(%dma_wait3A_175 : memref<128xi32, #tpu.memory_space<vmem>>)
      %run_scoped3A_178 = arith.constant 1 : i32
      %run_scoped3A_179 = arith.constant 1 : i32
      "tpu.region"() ({
        %run_scoped3A_181 = tpu.sem_alloc : memref<!tpu.dma_semaphore, #tpu.memory_space<semaphore_mem>>
        %dma_start3A_182 = arith.constant 0 : i32
        %dma_start3A_183 = arith.constant 0 : i32
        %dma_start3A_184 = tpu.memref_slice %arg6[%run_scoped3A_178, %dma_start3A_182, %dma_start3A_183] : memref<2x128x128xf32, #tpu.memory_space<vmem>> -> memref<1x128x128xf32, #tpu.memory_space<vmem>>
        %dma_start3A_185 = tpu.memref_squeeze %dma_start3A_184 : memref<1x128x128xf32, #tpu.memory_space<vmem>> -> memref<128x128xf32, #tpu.memory_space<vmem>>
        %dma_start3A_186 = arith.constant 0 : i32
        %dma_start3A_187 = tpu.memref_slice %arg7[%run_scoped3A_179, %dma_start3A_186] : memref<2x128xi32, #tpu.memory_space<vmem>> -> memref<1x128xi32, #tpu.memory_space<vmem>>
        %dma_start3A_188 = tpu.memref_squeeze %dma_start3A_187 : memref<1x128xi32, #tpu.memory_space<vmem>> -> memref<128xi32, #tpu.memory_space<vmem>>
        %dma_start3A_189 = arith.constant 0 : i32
        %dma_start3A_190 = arith.constant 0 : i32
        %dma_start3A_191 = tpu.memref_slice %arg10[%dma_start3A_189, %dma_start3A_190] : memref<10112x128xf32, #tpu.memory_space<vmem_shared>> -> memref<10112x128xf32, #tpu.memory_space<vmem_shared>>
        tpu.enqueue_indirect_dma source(%dma_start3A_185 : memref<128x128xf32, #tpu.memory_space<vmem>>) target(%dma_start3A_191 : memref<10112x128xf32, #tpu.memory_space<vmem_shared>>) offsets(%dma_start3A_188 : memref<128xi32, #tpu.memory_space<vmem>>) semaphore(%run_scoped3A_181 : memref<!tpu.dma_semaphore, #tpu.memory_space<semaphore_mem>>) {add = true}
        %dma_wait3A_192 = arith.constant 0 : i32
        %dma_wait3A_193 = arith.constant 0 : i32
        %dma_wait3A_194 = tpu.memref_slice %arg6[%run_scoped3A_178, %dma_wait3A_192, %dma_wait3A_193] : memref<2x128x128xf32, #tpu.memory_space<vmem>> -> memref<1x128x128xf32, #tpu.memory_space<vmem>>
        %dma_wait3A_195 = tpu.memref_squeeze %dma_wait3A_194 : memref<1x128x128xf32, #tpu.memory_space<vmem>> -> memref<128x128xf32, #tpu.memory_space<vmem>>
        %dma_wait3A_196 = arith.constant 0 : i32
        %dma_wait3A_197 = tpu.memref_slice %arg7[%run_scoped3A_179, %dma_wait3A_196] : memref<2x128xi32, #tpu.memory_space<vmem>> -> memref<1x128xi32, #tpu.memory_space<vmem>>
        %dma_wait3A_198 = tpu.memref_squeeze %dma_wait3A_197 : memref<1x128xi32, #tpu.memory_space<vmem>> -> memref<128xi32, #tpu.memory_space<vmem>>
        %dma_wait3A_199 = arith.constant 0 : i32
        %dma_wait3A_200 = arith.constant 0 : i32
        %dma_wait3A_201 = tpu.memref_slice %arg10[%dma_wait3A_199, %dma_wait3A_200] : memref<10112x128xf32, #tpu.memory_space<vmem_shared>> -> memref<10112x128xf32, #tpu.memory_space<vmem_shared>>
        tpu.wait_indirect_dma semaphore(%run_scoped3A_181 : memref<!tpu.dma_semaphore, #tpu.memory_space<semaphore_mem>>) src(%dma_wait3A_195 : memref<128x128xf32, #tpu.memory_space<vmem>>) dst(%dma_wait3A_201 : memref<10112x128xf32, #tpu.memory_space<vmem_shared>>)
        tpu.yield
      }) : () -> ()
      %scan3A_180 = arith.constant 0 : i32
      scf.yield %scan3A_180 : i32
    }
    %scan3A_37 = arith.constant 19 : i32
    %dma_wait3A = arith.constant 0 : i32
    %dma_wait3A_38 = arith.constant 0 : i32
    %dma_wait3A_39 = arith.constant 0 : i32
    %dma_wait3A_40 = tpu.memref_slice %arg6[%dma_wait3A, %dma_wait3A_38, %dma_wait3A_39] : memref<2x128x128xf32, #tpu.memory_space<vmem>> -> memref<1x128x128xf32, #tpu.memory_space<vmem>>
    %dma_wait3A_41 = tpu.memref_squeeze %dma_wait3A_40 : memref<1x128x128xf32, #tpu.memory_space<vmem>> -> memref<128x128xf32, #tpu.memory_space<vmem>>
    %dma_wait3A_42 = arith.constant 0 : i32
    %dma_wait3A_43 = arith.constant 0 : i32
    %dma_wait3A_44 = tpu.memref_slice %arg2[%arg0, %dma_wait3A_42, %dma_wait3A_43] : memref<2x80000x128xf32, #tpu.memory_space<hbm>> -> memref<1x128x128xf32, #tpu.memory_space<hbm>>
    %dma_wait3A_45 = tpu.memref_squeeze %dma_wait3A_44 : memref<1x128x128xf32, #tpu.memory_space<hbm>> -> memref<128x128xf32, #tpu.memory_space<hbm>>
    %dma_wait3A_46 = arith.constant 0 : i32
    %dma_wait3A_47 = arith.constant 0 : i32
    %dma_wait3A_48 = tpu.memref_slice %arg6[%dma_wait3A, %dma_wait3A_46, %dma_wait3A_47] : memref<2x128x128xf32, #tpu.memory_space<vmem>> -> memref<1x128x128xf32, #tpu.memory_space<vmem>>
    %dma_wait3A_49 = tpu.memref_squeeze %dma_wait3A_48 : memref<1x128x128xf32, #tpu.memory_space<vmem>> -> memref<128x128xf32, #tpu.memory_space<vmem>>
    %dma_wait3A_50 = arith.constant 0 : i32
    %dma_wait3A_51 = arith.constant 0 : i32
    %dma_wait3A_52 = tpu.memref_slice %arg2[%arg0, %dma_wait3A_50, %dma_wait3A_51] : memref<2x80000x128xf32, #tpu.memory_space<hbm>> -> memref<1x128x128xf32, #tpu.memory_space<hbm>>
    %dma_wait3A_53 = tpu.memref_squeeze %dma_wait3A_52 : memref<1x128x128xf32, #tpu.memory_space<hbm>> -> memref<128x128xf32, #tpu.memory_space<hbm>>
    tpu.wait_dma2 semaphore(%arg11 : memref<!tpu.dma_semaphore, #tpu.memory_space<semaphore_mem>>) src(%dma_wait3A_53 : memref<128x128xf32, #tpu.memory_space<hbm>>) dst(%dma_wait3A_49 : memref<128x128xf32, #tpu.memory_space<vmem>>)
    %dma_wait3A_54 = arith.constant 0 : i32
    %dma_wait3A_55 = arith.constant 0 : i32
    %dma_wait3A_56 = tpu.memref_slice %arg7[%dma_wait3A_54, %dma_wait3A_55] : memref<2x128xi32, #tpu.memory_space<vmem>> -> memref<1x128xi32, #tpu.memory_space<vmem>>
    %dma_wait3A_57 = tpu.memref_squeeze %dma_wait3A_56 : memref<1x128xi32, #tpu.memory_space<vmem>> -> memref<128xi32, #tpu.memory_space<vmem>>
    %dma_wait3A_58 = arith.constant 0 : i32
    %dma_wait3A_59 = tpu.memref_slice %arg3[%dma_wait3A_58] : memref<320000xi32, #tpu.memory_space<hbm>> -> memref<128xi32, #tpu.memory_space<hbm>>
    %dma_wait3A_60 = arith.constant 0 : i32
    %dma_wait3A_61 = tpu.memref_slice %arg7[%dma_wait3A_54, %dma_wait3A_60] : memref<2x128xi32, #tpu.memory_space<vmem>> -> memref<1x128xi32, #tpu.memory_space<vmem>>
    %dma_wait3A_62 = tpu.memref_squeeze %dma_wait3A_61 : memref<1x128xi32, #tpu.memory_space<vmem>> -> memref<128xi32, #tpu.memory_space<vmem>>
    %dma_wait3A_63 = arith.constant 0 : i32
    %dma_wait3A_64 = tpu.memref_slice %arg3[%dma_wait3A_63] : memref<320000xi32, #tpu.memory_space<hbm>> -> memref<128xi32, #tpu.memory_space<hbm>>
    tpu.wait_dma2 semaphore(%arg13 : memref<!tpu.dma_semaphore, #tpu.memory_space<semaphore_mem>>) src(%dma_wait3A_64 : memref<128xi32, #tpu.memory_space<hbm>>) dst(%dma_wait3A_62 : memref<128xi32, #tpu.memory_space<vmem>>)
    %run_scoped3A = arith.constant 0 : i32
    %run_scoped3A_65 = arith.constant 0 : i32
    "tpu.region"() ({
      %run_scoped3A_78 = tpu.sem_alloc : memref<!tpu.dma_semaphore, #tpu.memory_space<semaphore_mem>>
      %dma_start3A_79 = arith.constant 0 : i32
      %dma_start3A_80 = arith.constant 0 : i32
      %dma_start3A_81 = tpu.memref_slice %arg6[%run_scoped3A, %dma_start3A_79, %dma_start3A_80] : memref<2x128x128xf32, #tpu.memory_space<vmem>> -> memref<1x128x128xf32, #tpu.memory_space<vmem>>
      %dma_start3A_82 = tpu.memref_squeeze %dma_start3A_81 : memref<1x128x128xf32, #tpu.memory_space<vmem>> -> memref<128x128xf32, #tpu.memory_space<vmem>>
      %dma_start3A_83 = arith.constant 0 : i32
      %dma_start3A_84 = tpu.memref_slice %arg7[%run_scoped3A_65, %dma_start3A_83] : memref<2x128xi32, #tpu.memory_space<vmem>> -> memref<1x128xi32, #tpu.memory_space<vmem>>
      %dma_start3A_85 = tpu.memref_squeeze %dma_start3A_84 : memref<1x128xi32, #tpu.memory_space<vmem>> -> memref<128xi32, #tpu.memory_space<vmem>>
      %dma_start3A_86 = arith.constant 0 : i32
      %dma_start3A_87 = arith.constant 0 : i32
      %dma_start3A_88 = tpu.memref_slice %arg10[%dma_start3A_86, %dma_start3A_87] : memref<10112x128xf32, #tpu.memory_space<vmem_shared>> -> memref<10112x128xf32, #tpu.memory_space<vmem_shared>>
      tpu.enqueue_indirect_dma source(%dma_start3A_82 : memref<128x128xf32, #tpu.memory_space<vmem>>) target(%dma_start3A_88 : memref<10112x128xf32, #tpu.memory_space<vmem_shared>>) offsets(%dma_start3A_85 : memref<128xi32, #tpu.memory_space<vmem>>) semaphore(%run_scoped3A_78 : memref<!tpu.dma_semaphore, #tpu.memory_space<semaphore_mem>>) {add = true}
      %dma_wait3A_89 = arith.constant 0 : i32
      %dma_wait3A_90 = arith.constant 0 : i32
      %dma_wait3A_91 = tpu.memref_slice %arg6[%run_scoped3A, %dma_wait3A_89, %dma_wait3A_90] : memref<2x128x128xf32, #tpu.memory_space<vmem>> -> memref<1x128x128xf32, #tpu.memory_space<vmem>>
      %dma_wait3A_92 = tpu.memref_squeeze %dma_wait3A_91 : memref<1x128x128xf32, #tpu.memory_space<vmem>> -> memref<128x128xf32, #tpu.memory_space<vmem>>
      %dma_wait3A_93 = arith.constant 0 : i32
      %dma_wait3A_94 = tpu.memref_slice %arg7[%run_scoped3A_65, %dma_wait3A_93] : memref<2x128xi32, #tpu.memory_space<vmem>> -> memref<1x128xi32, #tpu.memory_space<vmem>>
      %dma_wait3A_95 = tpu.memref_squeeze %dma_wait3A_94 : memref<1x128xi32, #tpu.memory_space<vmem>> -> memref<128xi32, #tpu.memory_space<vmem>>
      %dma_wait3A_96 = arith.constant 0 : i32
      %dma_wait3A_97 = arith.constant 0 : i32
      %dma_wait3A_98 = tpu.memref_slice %arg10[%dma_wait3A_96, %dma_wait3A_97] : memref<10112x128xf32, #tpu.memory_space<vmem_shared>> -> memref<10112x128xf32, #tpu.memory_space<vmem_shared>>
      tpu.wait_indirect_dma semaphore(%run_scoped3A_78 : memref<!tpu.dma_semaphore, #tpu.memory_space<semaphore_mem>>) src(%dma_wait3A_92 : memref<128x128xf32, #tpu.memory_space<vmem>>) dst(%dma_wait3A_98 : memref<10112x128xf32, #tpu.memory_space<vmem_shared>>)
      tpu.yield
    }) : () -> ()
    %add3A_66 = arith.constant 4992 : i32
    %add3A_67 = arith.addi %mul3A_2, %add3A_66 : i32
    "tpu.region"() ({
      %run_scoped3A_78 = tpu.sem_alloc : memref<!tpu.dma_semaphore, #tpu.memory_space<semaphore_mem>>
      %dma_start3A_79 = arith.constant 0 : i32
      %dma_start3A_80 = tpu.memref_slice %arg2[%arg0, %add3A_67, %dma_start3A_79] : memref<2x80000x128xf32, #tpu.memory_space<hbm>> -> memref<1x8x128xf32, #tpu.memory_space<hbm>>
      %dma_start3A_81 = tpu.memref_squeeze %dma_start3A_80 : memref<1x8x128xf32, #tpu.memory_space<hbm>> -> memref<8x128xf32, #tpu.memory_space<hbm>>
      %dma_start3A_82 = arith.constant 0 : i32
      %dma_start3A_83 = tpu.memref_slice %arg2[%arg0, %add3A_67, %dma_start3A_82] : memref<2x80000x128xf32, #tpu.memory_space<hbm>> -> memref<1x8x128xf32, #tpu.memory_space<hbm>>
      %dma_start3A_84 = tpu.memref_squeeze %dma_start3A_83 : memref<1x8x128xf32, #tpu.memory_space<hbm>> -> memref<8x128xf32, #tpu.memory_space<hbm>>
      tpu.enqueue_dma source(%dma_start3A_84 : memref<8x128xf32, #tpu.memory_space<hbm>>) target(%arg8 : memref<8x128xf32, #tpu.memory_space<vmem>>) target_semaphore(%run_scoped3A_78 : memref<!tpu.dma_semaphore, #tpu.memory_space<semaphore_mem>>)
      %dma_wait3A_85 = arith.constant 0 : i32
      %dma_wait3A_86 = tpu.memref_slice %arg2[%arg0, %add3A_67, %dma_wait3A_85] : memref<2x80000x128xf32, #tpu.memory_space<hbm>> -> memref<1x8x128xf32, #tpu.memory_space<hbm>>
      %dma_wait3A_87 = tpu.memref_squeeze %dma_wait3A_86 : memref<1x8x128xf32, #tpu.memory_space<hbm>> -> memref<8x128xf32, #tpu.memory_space<hbm>>
      %dma_wait3A_88 = arith.constant 0 : i32
      %dma_wait3A_89 = tpu.memref_slice %arg2[%arg0, %add3A_67, %dma_wait3A_88] : memref<2x80000x128xf32, #tpu.memory_space<hbm>> -> memref<1x8x128xf32, #tpu.memory_space<hbm>>
      %dma_wait3A_90 = tpu.memref_squeeze %dma_wait3A_89 : memref<1x8x128xf32, #tpu.memory_space<hbm>> -> memref<8x128xf32, #tpu.memory_space<hbm>>
      tpu.wait_dma2 semaphore(%run_scoped3A_78 : memref<!tpu.dma_semaphore, #tpu.memory_space<semaphore_mem>>) src(%dma_wait3A_90 : memref<8x128xf32, #tpu.memory_space<hbm>>) dst(%arg8 : memref<8x128xf32, #tpu.memory_space<vmem>>)
      tpu.yield
    }) : () -> ()
    %mul3A_68 = arith.constant 160000 : i32
    %mul3A_69 = arith.muli %arg0, %mul3A_68 : i32
    %add3A_70 = arith.constant 80000 : i32
    %add3A_71 = arith.addi %mul3A_69, %add3A_70 : i32
    %add3A_72 = arith.addi %add3A_71, %add3A_67 : i32
    "tpu.region"() ({
      %run_scoped3A_78 = tpu.sem_alloc : memref<!tpu.dma_semaphore, #tpu.memory_space<semaphore_mem>>
      %dma_start3A_79 = tpu.memref_slice %arg3[%add3A_72] : memref<320000xi32, #tpu.memory_space<hbm>> -> memref<8xi32, #tpu.memory_space<hbm>>
      %dma_start3A_80 = tpu.memref_slice %arg3[%add3A_72] : memref<320000xi32, #tpu.memory_space<hbm>> -> memref<8xi32, #tpu.memory_space<hbm>>
      tpu.enqueue_dma source(%dma_start3A_80 : memref<8xi32, #tpu.memory_space<hbm>>) target(%arg9 : memref<8xi32, #tpu.memory_space<vmem>>) target_semaphore(%run_scoped3A_78 : memref<!tpu.dma_semaphore, #tpu.memory_space<semaphore_mem>>)
      %dma_wait3A_81 = tpu.memref_slice %arg3[%add3A_72] : memref<320000xi32, #tpu.memory_space<hbm>> -> memref<8xi32, #tpu.memory_space<hbm>>
      %dma_wait3A_82 = tpu.memref_slice %arg3[%add3A_72] : memref<320000xi32, #tpu.memory_space<hbm>> -> memref<8xi32, #tpu.memory_space<hbm>>
      tpu.wait_dma2 semaphore(%run_scoped3A_78 : memref<!tpu.dma_semaphore, #tpu.memory_space<semaphore_mem>>) src(%dma_wait3A_82 : memref<8xi32, #tpu.memory_space<hbm>>) dst(%arg9 : memref<8xi32, #tpu.memory_space<vmem>>)
      tpu.yield
    }) : () -> ()
    "tpu.region"() ({
      %run_scoped3A_78 = tpu.sem_alloc : memref<!tpu.dma_semaphore, #tpu.memory_space<semaphore_mem>>
      %dma_start3A_79 = arith.constant 0 : i32
      %dma_start3A_80 = arith.constant 0 : i32
      %dma_start3A_81 = tpu.memref_slice %arg10[%dma_start3A_79, %dma_start3A_80] : memref<10112x128xf32, #tpu.memory_space<vmem_shared>> -> memref<10112x128xf32, #tpu.memory_space<vmem_shared>>
      tpu.enqueue_indirect_dma source(%arg8 : memref<8x128xf32, #tpu.memory_space<vmem>>) target(%dma_start3A_81 : memref<10112x128xf32, #tpu.memory_space<vmem_shared>>) offsets(%arg9 : memref<8xi32, #tpu.memory_space<vmem>>) semaphore(%run_scoped3A_78 : memref<!tpu.dma_semaphore, #tpu.memory_space<semaphore_mem>>) {add = true}
      %dma_wait3A_82 = arith.constant 0 : i32
      %dma_wait3A_83 = arith.constant 0 : i32
      %dma_wait3A_84 = tpu.memref_slice %arg10[%dma_wait3A_82, %dma_wait3A_83] : memref<10112x128xf32, #tpu.memory_space<vmem_shared>> -> memref<10112x128xf32, #tpu.memory_space<vmem_shared>>
      tpu.wait_indirect_dma semaphore(%run_scoped3A_78 : memref<!tpu.dma_semaphore, #tpu.memory_space<semaphore_mem>>) src(%arg8 : memref<8x128xf32, #tpu.memory_space<vmem>>) dst(%dma_wait3A_84 : memref<10112x128xf32, #tpu.memory_space<vmem_shared>>)
      tpu.yield
    }) : () -> ()
    %barrier3A_73 = arith.constant 0 : index
    tpu.barrier barrier_id(%barrier3A_73)
    %mul3A_74 = arith.constant 632 : i32
    %mul3A_75 = arith.muli %arg1, %mul3A_74 : i32
    %mul3A_76 = arith.constant 632 : i32
    %mul3A_77 = arith.muli %arg1, %mul3A_76 : i32
    "tpu.region"() ({
      %run_scoped3A_78 = tpu.sem_alloc : memref<!tpu.dma_semaphore, #tpu.memory_space<semaphore_mem>>
      %dma_start3A_79 = arith.constant 0 : i32
      %dma_start3A_80 = tpu.memref_slice %arg5[%arg0, %mul3A_77, %dma_start3A_79] : memref<2x10112x128xf32, #tpu.memory_space<hbm>> -> memref<1x632x128xf32, #tpu.memory_space<hbm>>
      %dma_start3A_81 = tpu.memref_squeeze %dma_start3A_80 : memref<1x632x128xf32, #tpu.memory_space<hbm>> -> memref<632x128xf32, #tpu.memory_space<hbm>>
      %dma_start3A_82 = arith.constant 0 : i32
      %dma_start3A_83 = tpu.memref_slice %arg10[%mul3A_75, %dma_start3A_82] : memref<10112x128xf32, #tpu.memory_space<vmem_shared>> -> memref<632x128xf32, #tpu.memory_space<vmem_shared>>
      tpu.enqueue_dma source(%dma_start3A_83 : memref<632x128xf32, #tpu.memory_space<vmem_shared>>) target(%dma_start3A_81 : memref<632x128xf32, #tpu.memory_space<hbm>>) target_semaphore(%run_scoped3A_78 : memref<!tpu.dma_semaphore, #tpu.memory_space<semaphore_mem>>)
      %dma_wait3A_84 = arith.constant 0 : i32
      %dma_wait3A_85 = tpu.memref_slice %arg5[%arg0, %mul3A_77, %dma_wait3A_84] : memref<2x10112x128xf32, #tpu.memory_space<hbm>> -> memref<1x632x128xf32, #tpu.memory_space<hbm>>
      %dma_wait3A_86 = tpu.memref_squeeze %dma_wait3A_85 : memref<1x632x128xf32, #tpu.memory_space<hbm>> -> memref<632x128xf32, #tpu.memory_space<hbm>>
      %dma_wait3A_87 = arith.constant 0 : i32
      %dma_wait3A_88 = tpu.memref_slice %arg10[%mul3A_75, %dma_wait3A_87] : memref<10112x128xf32, #tpu.memory_space<vmem_shared>> -> memref<632x128xf32, #tpu.memory_space<vmem_shared>>
      tpu.wait_dma2 semaphore(%run_scoped3A_78 : memref<!tpu.dma_semaphore, #tpu.memory_space<semaphore_mem>>) src(%dma_wait3A_88 : memref<632x128xf32, #tpu.memory_space<vmem_shared>>) dst(%dma_wait3A_86 : memref<632x128xf32, #tpu.memory_space<hbm>>)
      tpu.yield
    }) : () -> ()
    return
  }
}

#map = affine_map<(d0, d1) -> (0, 0, 0)>
#map1 = affine_map<(d0, d1) -> (0)>
#map2 = affine_map<(d0, d1) -> (0, 0)>
module attributes {stable_mosaic.version = 14 : i64} {
  func.func @_sc_scatter_kernel(%arg0: i32, %arg1: i32, %arg2: memref<2x80000x128xf32, #tpu.memory_space<hbm>>, %arg3: memref<320000xi32, #tpu.memory_space<hbm>>, %arg4: memref<632x128xf32, #tpu.memory_space<hbm>>, %arg5: memref<2x10112x128xf32, #tpu.memory_space<hbm>>, %arg6: memref<2x128x128xf32, #tpu.memory_space<vmem>>, %arg7: memref<2x128xi32, #tpu.memory_space<vmem>>, %arg8: memref<8x128xf32, #tpu.memory_space<vmem>>, %arg9: memref<8xi32, #tpu.memory_space<vmem>>, %arg10: memref<10112x128xf32, #tpu.memory_space<vmem_shared>>, %arg11: memref<!tpu.dma_semaphore, #tpu.memory_space<semaphore_mem>>, %arg12: memref<!tpu.dma_semaphore, #tpu.memory_space<semaphore_mem>>, %arg13: memref<!tpu.dma_semaphore, #tpu.memory_space<semaphore_mem>>, %arg14: memref<!tpu.dma_semaphore, #tpu.memory_space<semaphore_mem>>) attributes {dimension_semantics = [#tpu.dimension_semantics<core_parallel>, #tpu.dimension_semantics<subcore_parallel>], iteration_bounds = array<i64: 2, 16>, scalar_prefetch = 0 : i64, scratch_operands = 9 : i64, tpu.core_type = #tpu.core_type<sc_vector_subcore>, window_params = [{transform_indices = #map}, {transform_indices = #map1}, {transform_indices = #map2}, {transform_indices = #map}]} {
    %mul3A = arith.constant 632 : i32
    %mul3A_0 = arith.muli %arg1, %mul3A : i32
    "tpu.region"() ({
      %run_scoped3A_78 = tpu.sem_alloc : memref<!tpu.dma_semaphore, #tpu.memory_space<semaphore_mem>>
      %dma_start3A_79 = arith.constant 0 : i32
      %dma_start3A_80 = tpu.memref_slice %arg10[%mul3A_0, %dma_start3A_79] : memref<10112x128xf32, #tpu.memory_space<vmem_shared>> -> memref<632x128xf32, #tpu.memory_space<vmem_shared>>
      tpu.enqueue_dma source(%arg4 : memref<632x128xf32, #tpu.memory_space<hbm>>) target(%dma_start3A_80 : memref<632x128xf32, #tpu.memory_space<vmem_shared>>) target_semaphore(%run_scoped3A_78 : memref<!tpu.dma_semaphore, #tpu.memory_space<semaphore_mem>>)
      %dma_wait3A_81 = arith.constant 0 : i32
      %dma_wait3A_82 = tpu.memref_slice %arg10[%mul3A_0, %dma_wait3A_81] : memref<10112x128xf32, #tpu.memory_space<vmem_shared>> -> memref<632x128xf32, #tpu.memory_space<vmem_shared>>
      tpu.wait_dma2 semaphore(%run_scoped3A_78 : memref<!tpu.dma_semaphore, #tpu.memory_space<semaphore_mem>>) src(%arg4 : memref<632x128xf32, #tpu.memory_space<hbm>>) dst(%dma_wait3A_82 : memref<632x128xf32, #tpu.memory_space<vmem_shared>>)
      tpu.yield
    }) : () -> ()
    %barrier3A = arith.constant 0 : index
    tpu.barrier barrier_id(%barrier3A)
    %mul3A_1 = arith.constant 5000 : i32
    %mul3A_2 = arith.muli %arg1, %mul3A_1 : i32
    %add3A = arith.constant 0 : i32
    %add3A_3 = arith.addi %mul3A_2, %add3A : i32
    %dma_start3A = arith.constant 0 : i32
    %dma_start3A_4 = arith.constant 0 : i32
    %dma_start3A_5 = arith.constant 0 : i32
    %dma_start3A_6 = tpu.memref_slice %arg6[%dma_start3A, %dma_start3A_4, %dma_start3A_5] : memref<2x128x128xf32, #tpu.memory_space<vmem>> -> memref<1x128x128xf32, #tpu.memory_space<vmem>>
    %dma_start3A_7 = tpu.memref_squeeze %dma_start3A_6 : memref<1x128x128xf32, #tpu.memory_space<vmem>> -> memref<128x128xf32, #tpu.memory_space<vmem>>
    %dma_start3A_8 = arith.constant 0 : i32
    %dma_start3A_9 = tpu.memref_slice %arg2[%arg0, %add3A_3, %dma_start3A_8] : memref<2x80000x128xf32, #tpu.memory_space<hbm>> -> memref<1x128x128xf32, #tpu.memory_space<hbm>>
    %dma_start3A_10 = tpu.memref_squeeze %dma_start3A_9 : memref<1x128x128xf32, #tpu.memory_space<hbm>> -> memref<128x128xf32, #tpu.memory_space<hbm>>
    %dma_start3A_11 = arith.constant 0 : i32
    %dma_start3A_12 = arith.constant 0 : i32
    %dma_start3A_13 = tpu.memref_slice %arg6[%dma_start3A, %dma_start3A_11, %dma_start3A_12] : memref<2x128x128xf32, #tpu.memory_space<vmem>> -> memref<1x128x128xf32, #tpu.memory_space<vmem>>
    %dma_start3A_14 = tpu.memref_squeeze %dma_start3A_13 : memref<1x128x128xf32, #tpu.memory_space<vmem>> -> memref<128x128xf32, #tpu.memory_space<vmem>>
    %dma_start3A_15 = arith.constant 0 : i32
    %dma_start3A_16 = tpu.memref_slice %arg2[%arg0, %add3A_3, %dma_start3A_15] : memref<2x80000x128xf32, #tpu.memory_space<hbm>> -> memref<1x128x128xf32, #tpu.memory_space<hbm>>
    %dma_start3A_17 = tpu.memref_squeeze %dma_start3A_16 : memref<1x128x128xf32, #tpu.memory_space<hbm>> -> memref<128x128xf32, #tpu.memory_space<hbm>>
    tpu.enqueue_dma source(%dma_start3A_17 : memref<128x128xf32, #tpu.memory_space<hbm>>) target(%dma_start3A_14 : memref<128x128xf32, #tpu.memory_space<vmem>>) target_semaphore(%arg11 : memref<!tpu.dma_semaphore, #tpu.memory_space<semaphore_mem>>)
    %mul3A_18 = arith.constant 160000 : i32
    %mul3A_19 = arith.muli %arg0, %mul3A_18 : i32
    %add3A_20 = arith.constant 0 : i32
    %add3A_21 = arith.addi %mul3A_19, %add3A_20 : i32
    %add3A_22 = arith.addi %add3A_21, %add3A_3 : i32
    %dma_start3A_23 = arith.constant 0 : i32
    %dma_start3A_24 = arith.constant 0 : i32
    %dma_start3A_25 = tpu.memref_slice %arg7[%dma_start3A_23, %dma_start3A_24] : memref<2x128xi32, #tpu.memory_space<vmem>> -> memref<1x128xi32, #tpu.memory_space<vmem>>
    %dma_start3A_26 = tpu.memref_squeeze %dma_start3A_25 : memref<1x128xi32, #tpu.memory_space<vmem>> -> memref<128xi32, #tpu.memory_space<vmem>>
    %dma_start3A_27 = tpu.memref_slice %arg3[%add3A_22] : memref<320000xi32, #tpu.memory_space<hbm>> -> memref<128xi32, #tpu.memory_space<hbm>>
    %dma_start3A_28 = arith.constant 0 : i32
    %dma_start3A_29 = tpu.memref_slice %arg7[%dma_start3A_23, %dma_start3A_28] : memref<2x128xi32, #tpu.memory_space<vmem>> -> memref<1x128xi32, #tpu.memory_space<vmem>>
    %dma_start3A_30 = tpu.memref_squeeze %dma_start3A_29 : memref<1x128xi32, #tpu.memory_space<vmem>> -> memref<128xi32, #tpu.memory_space<vmem>>
    %dma_start3A_31 = tpu.memref_slice %arg3[%add3A_22] : memref<320000xi32, #tpu.memory_space<hbm>> -> memref<128xi32, #tpu.memory_space<hbm>>
    tpu.enqueue_dma source(%dma_start3A_31 : memref<128xi32, #tpu.memory_space<hbm>>) target(%dma_start3A_30 : memref<128xi32, #tpu.memory_space<vmem>>) target_semaphore(%arg13 : memref<!tpu.dma_semaphore, #tpu.memory_space<semaphore_mem>>)
    %scan3A = arith.constant 0 : i32
    %scan3A_32 = arith.constant 0 : i32
    %scan3A_33 = arith.constant 19 : i32
    %scan3A_34 = arith.addi %scan3A_32, %scan3A_33 : i32
    %scan3A_35 = arith.constant 1 : i32
    %scan3A_36 = scf.for %scan3A_78 = %scan3A_32 to %scan3A_34 step %scan3A_35 iter_args(%scan3A_79 = %scan3A) -> (i32)  : i32 {
      %mul3A_80 = arith.constant 2 : i32
      %mul3A_81 = arith.muli %mul3A_80, %scan3A_78 : i32
      %add3A_82 = arith.constant 1 : i32
      %add3A_83 = arith.addi %mul3A_81, %add3A_82 : i32
      %mul3A_84 = arith.constant 128 : i32
      %mul3A_85 = arith.muli %add3A_83, %mul3A_84 : i32
      %add3A_86 = arith.addi %mul3A_2, %mul3A_85 : i32
      %dma_start3A_87 = arith.constant 1 : i32
      %dma_start3A_88 = arith.constant 0 : i32
      %dma_start3A_89 = arith.constant 0 : i32
      %dma_start3A_90 = tpu.memref_slice %arg6[%dma_start3A_87, %dma_start3A_88, %dma_start3A_89] : memref<2x128x128xf32, #tpu.memory_space<vmem>> -> memref<1x128x128xf32, #tpu.memory_space<vmem>>
      %dma_start3A_91 = tpu.memref_squeeze %dma_start3A_90 : memref<1x128x128xf32, #tpu.memory_space<vmem>> -> memref<128x128xf32, #tpu.memory_space<vmem>>
      %dma_start3A_92 = arith.constant 0 : i32
      %dma_start3A_93 = tpu.memref_slice %arg2[%arg0, %add3A_86, %dma_start3A_92] : memref<2x80000x128xf32, #tpu.memory_space<hbm>> -> memref<1x128x128xf32, #tpu.memory_space<hbm>>
      %dma_start3A_94 = tpu.memref_squeeze %dma_start3A_93 : memref<1x128x128xf32, #tpu.memory_space<hbm>> -> memref<128x128xf32, #tpu.memory_space<hbm>>
      %dma_start3A_95 = arith.constant 0 : i32
      %dma_start3A_96 = arith.constant 0 : i32
      %dma_start3A_97 = tpu.memref_slice %arg6[%dma_start3A_87, %dma_start3A_95, %dma_start3A_96] : memref<2x128x128xf32, #tpu.memory_space<vmem>> -> memref<1x128x128xf32, #tpu.memory_space<vmem>>
      %dma_start3A_98 = tpu.memref_squeeze %dma_start3A_97 : memref<1x128x128xf32, #tpu.memory_space<vmem>> -> memref<128x128xf32, #tpu.memory_space<vmem>>
      %dma_start3A_99 = arith.constant 0 : i32
      %dma_start3A_100 = tpu.memref_slice %arg2[%arg0, %add3A_86, %dma_start3A_99] : memref<2x80000x128xf32, #tpu.memory_space<hbm>> -> memref<1x128x128xf32, #tpu.memory_space<hbm>>
      %dma_start3A_101 = tpu.memref_squeeze %dma_start3A_100 : memref<1x128x128xf32, #tpu.memory_space<hbm>> -> memref<128x128xf32, #tpu.memory_space<hbm>>
      tpu.enqueue_dma source(%dma_start3A_101 : memref<128x128xf32, #tpu.memory_space<hbm>>) target(%dma_start3A_98 : memref<128x128xf32, #tpu.memory_space<vmem>>) target_semaphore(%arg12 : memref<!tpu.dma_semaphore, #tpu.memory_space<semaphore_mem>>)
      %mul3A_102 = arith.constant 160000 : i32
      %mul3A_103 = arith.muli %arg0, %mul3A_102 : i32
      %add3A_104 = arith.constant 0 : i32
      %add3A_105 = arith.addi %mul3A_103, %add3A_104 : i32
      %add3A_106 = arith.addi %add3A_105, %add3A_86 : i32
      %dma_start3A_107 = arith.constant 1 : i32
      %dma_start3A_108 = arith.constant 0 : i32
      %dma_start3A_109 = tpu.memref_slice %arg7[%dma_start3A_107, %dma_start3A_108] : memref<2x128xi32, #tpu.memory_space<vmem>> -> memref<1x128xi32, #tpu.memory_space<vmem>>
      %dma_start3A_110 = tpu.memref_squeeze %dma_start3A_109 : memref<1x128xi32, #tpu.memory_space<vmem>> -> memref<128xi32, #tpu.memory_space<vmem>>
      %dma_start3A_111 = tpu.memref_slice %arg3[%add3A_106] : memref<320000xi32, #tpu.memory_space<hbm>> -> memref<128xi32, #tpu.memory_space<hbm>>
      %dma_start3A_112 = arith.constant 0 : i32
      %dma_start3A_113 = tpu.memref_slice %arg7[%dma_start3A_107, %dma_start3A_112] : memref<2x128xi32, #tpu.memory_space<vmem>> -> memref<1x128xi32, #tpu.memory_space<vmem>>
      %dma_start3A_114 = tpu.memref_squeeze %dma_start3A_113 : memref<1x128xi32, #tpu.memory_space<vmem>> -> memref<128xi32, #tpu.memory_space<vmem>>
      %dma_start3A_115 = tpu.memref_slice %arg3[%add3A_106] : memref<320000xi32, #tpu.memory_space<hbm>> -> memref<128xi32, #tpu.memory_space<hbm>>
      tpu.enqueue_dma source(%dma_start3A_115 : memref<128xi32, #tpu.memory_space<hbm>>) target(%dma_start3A_114 : memref<128xi32, #tpu.memory_space<vmem>>) target_semaphore(%arg14 : memref<!tpu.dma_semaphore, #tpu.memory_space<semaphore_mem>>)
      %dma_wait3A_116 = arith.constant 0 : i32
      %dma_wait3A_117 = arith.constant 0 : i32
      %dma_wait3A_118 = arith.constant 0 : i32
      %dma_wait3A_119 = tpu.memref_slice %arg6[%dma_wait3A_116, %dma_wait3A_117, %dma_wait3A_118] : memref<2x128x128xf32, #tpu.memory_space<vmem>> -> memref<1x128x128xf32, #tpu.memory_space<vmem>>
      %dma_wait3A_120 = tpu.memref_squeeze %dma_wait3A_119 : memref<1x128x128xf32, #tpu.memory_space<vmem>> -> memref<128x128xf32, #tpu.memory_space<vmem>>
      %dma_wait3A_121 = arith.constant 0 : i32
      %dma_wait3A_122 = arith.constant 0 : i32
      %dma_wait3A_123 = tpu.memref_slice %arg2[%arg0, %dma_wait3A_121, %dma_wait3A_122] : memref<2x80000x128xf32, #tpu.memory_space<hbm>> -> memref<1x128x128xf32, #tpu.memory_space<hbm>>
      %dma_wait3A_124 = tpu.memref_squeeze %dma_wait3A_123 : memref<1x128x128xf32, #tpu.memory_space<hbm>> -> memref<128x128xf32, #tpu.memory_space<hbm>>
      %dma_wait3A_125 = arith.constant 0 : i32
      %dma_wait3A_126 = arith.constant 0 : i32
      %dma_wait3A_127 = tpu.memref_slice %arg6[%dma_wait3A_116, %dma_wait3A_125, %dma_wait3A_126] : memref<2x128x128xf32, #tpu.memory_space<vmem>> -> memref<1x128x128xf32, #tpu.memory_space<vmem>>
      %dma_wait3A_128 = tpu.memref_squeeze %dma_wait3A_127 : memref<1x128x128xf32, #tpu.memory_space<vmem>> -> memref<128x128xf32, #tpu.memory_space<vmem>>
      %dma_wait3A_129 = arith.constant 0 : i32
      %dma_wait3A_130 = arith.constant 0 : i32
      %dma_wait3A_131 = tpu.memref_slice %arg2[%arg0, %dma_wait3A_129, %dma_wait3A_130] : memref<2x80000x128xf32, #tpu.memory_space<hbm>> -> memref<1x128x128xf32, #tpu.memory_space<hbm>>
      %dma_wait3A_132 = tpu.memref_squeeze %dma_wait3A_131 : memref<1x128x128xf32, #tpu.memory_space<hbm>> -> memref<128x128xf32, #tpu.memory_space<hbm>>
      tpu.wait_dma2 semaphore(%arg11 : memref<!tpu.dma_semaphore, #tpu.memory_space<semaphore_mem>>) src(%dma_wait3A_132 : memref<128x128xf32, #tpu.memory_space<hbm>>) dst(%dma_wait3A_128 : memref<128x128xf32, #tpu.memory_space<vmem>>)
      %dma_wait3A_133 = arith.constant 0 : i32
      %dma_wait3A_134 = arith.constant 0 : i32
      %dma_wait3A_135 = tpu.memref_slice %arg7[%dma_wait3A_133, %dma_wait3A_134] : memref<2x128xi32, #tpu.memory_space<vmem>> -> memref<1x128xi32, #tpu.memory_space<vmem>>
      %dma_wait3A_136 = tpu.memref_squeeze %dma_wait3A_135 : memref<1x128xi32, #tpu.memory_space<vmem>> -> memref<128xi32, #tpu.memory_space<vmem>>
      %dma_wait3A_137 = arith.constant 0 : i32
      %dma_wait3A_138 = tpu.memref_slice %arg3[%dma_wait3A_137] : memref<320000xi32, #tpu.memory_space<hbm>> -> memref<128xi32, #tpu.memory_space<hbm>>
      %dma_wait3A_139 = arith.constant 0 : i32
      %dma_wait3A_140 = tpu.memref_slice %arg7[%dma_wait3A_133, %dma_wait3A_139] : memref<2x128xi32, #tpu.memory_space<vmem>> -> memref<1x128xi32, #tpu.memory_space<vmem>>
      %dma_wait3A_141 = tpu.memref_squeeze %dma_wait3A_140 : memref<1x128xi32, #tpu.memory_space<vmem>> -> memref<128xi32, #tpu.memory_space<vmem>>
      %dma_wait3A_142 = arith.constant 0 : i32
      %dma_wait3A_143 = tpu.memref_slice %arg3[%dma_wait3A_142] : memref<320000xi32, #tpu.memory_space<hbm>> -> memref<128xi32, #tpu.memory_space<hbm>>
      tpu.wait_dma2 semaphore(%arg13 : memref<!tpu.dma_semaphore, #tpu.memory_space<semaphore_mem>>) src(%dma_wait3A_143 : memref<128xi32, #tpu.memory_space<hbm>>) dst(%dma_wait3A_141 : memref<128xi32, #tpu.memory_space<vmem>>)
      %run_scoped3A_144 = arith.constant 0 : i32
      %run_scoped3A_145 = arith.constant 0 : i32
      "tpu.region"() ({
        %run_scoped3A_181 = tpu.sem_alloc : memref<!tpu.dma_semaphore, #tpu.memory_space<semaphore_mem>>
        %dma_start3A_182 = arith.constant 0 : i32
        %dma_start3A_183 = arith.constant 0 : i32
        %dma_start3A_184 = tpu.memref_slice %arg6[%run_scoped3A_144, %dma_start3A_182, %dma_start3A_183] : memref<2x128x128xf32, #tpu.memory_space<vmem>> -> memref<1x128x128xf32, #tpu.memory_space<vmem>>
        %dma_start3A_185 = tpu.memref_squeeze %dma_start3A_184 : memref<1x128x128xf32, #tpu.memory_space<vmem>> -> memref<128x128xf32, #tpu.memory_space<vmem>>
        %dma_start3A_186 = arith.constant 0 : i32
        %dma_start3A_187 = tpu.memref_slice %arg7[%run_scoped3A_145, %dma_start3A_186] : memref<2x128xi32, #tpu.memory_space<vmem>> -> memref<1x128xi32, #tpu.memory_space<vmem>>
        %dma_start3A_188 = tpu.memref_squeeze %dma_start3A_187 : memref<1x128xi32, #tpu.memory_space<vmem>> -> memref<128xi32, #tpu.memory_space<vmem>>
        %dma_start3A_189 = arith.constant 0 : i32
        %dma_start3A_190 = arith.constant 0 : i32
        %dma_start3A_191 = tpu.memref_slice %arg10[%dma_start3A_189, %dma_start3A_190] : memref<10112x128xf32, #tpu.memory_space<vmem_shared>> -> memref<10112x128xf32, #tpu.memory_space<vmem_shared>>
        tpu.enqueue_indirect_dma source(%dma_start3A_185 : memref<128x128xf32, #tpu.memory_space<vmem>>) target(%dma_start3A_191 : memref<10112x128xf32, #tpu.memory_space<vmem_shared>>) offsets(%dma_start3A_188 : memref<128xi32, #tpu.memory_space<vmem>>) semaphore(%run_scoped3A_181 : memref<!tpu.dma_semaphore, #tpu.memory_space<semaphore_mem>>) {add = true}
        %dma_wait3A_192 = arith.constant 0 : i32
        %dma_wait3A_193 = arith.constant 0 : i32
        %dma_wait3A_194 = tpu.memref_slice %arg6[%run_scoped3A_144, %dma_wait3A_192, %dma_wait3A_193] : memref<2x128x128xf32, #tpu.memory_space<vmem>> -> memref<1x128x128xf32, #tpu.memory_space<vmem>>
        %dma_wait3A_195 = tpu.memref_squeeze %dma_wait3A_194 : memref<1x128x128xf32, #tpu.memory_space<vmem>> -> memref<128x128xf32, #tpu.memory_space<vmem>>
        %dma_wait3A_196 = arith.constant 0 : i32
        %dma_wait3A_197 = tpu.memref_slice %arg7[%run_scoped3A_145, %dma_wait3A_196] : memref<2x128xi32, #tpu.memory_space<vmem>> -> memref<1x128xi32, #tpu.memory_space<vmem>>
        %dma_wait3A_198 = tpu.memref_squeeze %dma_wait3A_197 : memref<1x128xi32, #tpu.memory_space<vmem>> -> memref<128xi32, #tpu.memory_space<vmem>>
        %dma_wait3A_199 = arith.constant 0 : i32
        %dma_wait3A_200 = arith.constant 0 : i32
        %dma_wait3A_201 = tpu.memref_slice %arg10[%dma_wait3A_199, %dma_wait3A_200] : memref<10112x128xf32, #tpu.memory_space<vmem_shared>> -> memref<10112x128xf32, #tpu.memory_space<vmem_shared>>
        tpu.wait_indirect_dma semaphore(%run_scoped3A_181 : memref<!tpu.dma_semaphore, #tpu.memory_space<semaphore_mem>>) src(%dma_wait3A_195 : memref<128x128xf32, #tpu.memory_space<vmem>>) dst(%dma_wait3A_201 : memref<10112x128xf32, #tpu.memory_space<vmem_shared>>)
        tpu.yield
      }) : () -> ()
      %add3A_146 = arith.constant 2 : i32
      %add3A_147 = arith.addi %mul3A_81, %add3A_146 : i32
      %lt3A = arith.constant 39 : i32
      %lt3A_148 = arith.cmpi slt, %add3A_147, %lt3A : i32
      %convert_element_type3A = arith.extui %lt3A_148 : i1 to i32
      %cond3A = arith.constant 0 : i32
      %cond3A_149 = arith.cmpi ne, %convert_element_type3A, %cond3A : i32
      scf.if %cond3A_149 {
        %add3A_181 = arith.constant 2 : i32
        %add3A_182 = arith.addi %mul3A_81, %add3A_181 : i32
        %mul3A_183 = arith.constant 128 : i32
        %mul3A_184 = arith.muli %add3A_182, %mul3A_183 : i32
        %add3A_185 = arith.addi %mul3A_2, %mul3A_184 : i32
        %dma_start3A_186 = arith.constant 0 : i32
        %dma_start3A_187 = arith.constant 0 : i32
        %dma_start3A_188 = arith.constant 0 : i32
        %dma_start3A_189 = tpu.memref_slice %arg6[%dma_start3A_186, %dma_start3A_187, %dma_start3A_188] : memref<2x128x128xf32, #tpu.memory_space<vmem>> -> memref<1x128x128xf32, #tpu.memory_space<vmem>>
        %dma_start3A_190 = tpu.memref_squeeze %dma_start3A_189 : memref<1x128x128xf32, #tpu.memory_space<vmem>> -> memref<128x128xf32, #tpu.memory_space<vmem>>
        %dma_start3A_191 = arith.constant 0 : i32
        %dma_start3A_192 = tpu.memref_slice %arg2[%arg0, %add3A_185, %dma_start3A_191] : memref<2x80000x128xf32, #tpu.memory_space<hbm>> -> memref<1x128x128xf32, #tpu.memory_space<hbm>>
        %dma_start3A_193 = tpu.memref_squeeze %dma_start3A_192 : memref<1x128x128xf32, #tpu.memory_space<hbm>> -> memref<128x128xf32, #tpu.memory_space<hbm>>
        %dma_start3A_194 = arith.constant 0 : i32
        %dma_start3A_195 = arith.constant 0 : i32
        %dma_start3A_196 = tpu.memref_slice %arg6[%dma_start3A_186, %dma_start3A_194, %dma_start3A_195] : memref<2x128x128xf32, #tpu.memory_space<vmem>> -> memref<1x128x128xf32, #tpu.memory_space<vmem>>
        %dma_start3A_197 = tpu.memref_squeeze %dma_start3A_196 : memref<1x128x128xf32, #tpu.memory_space<vmem>> -> memref<128x128xf32, #tpu.memory_space<vmem>>
        %dma_start3A_198 = arith.constant 0 : i32
        %dma_start3A_199 = tpu.memref_slice %arg2[%arg0, %add3A_185, %dma_start3A_198] : memref<2x80000x128xf32, #tpu.memory_space<hbm>> -> memref<1x128x128xf32, #tpu.memory_space<hbm>>
        %dma_start3A_200 = tpu.memref_squeeze %dma_start3A_199 : memref<1x128x128xf32, #tpu.memory_space<hbm>> -> memref<128x128xf32, #tpu.memory_space<hbm>>
        tpu.enqueue_dma source(%dma_start3A_200 : memref<128x128xf32, #tpu.memory_space<hbm>>) target(%dma_start3A_197 : memref<128x128xf32, #tpu.memory_space<vmem>>) target_semaphore(%arg11 : memref<!tpu.dma_semaphore, #tpu.memory_space<semaphore_mem>>)
        %mul3A_201 = arith.constant 160000 : i32
        %mul3A_202 = arith.muli %arg0, %mul3A_201 : i32
        %add3A_203 = arith.constant 0 : i32
        %add3A_204 = arith.addi %mul3A_202, %add3A_203 : i32
        %add3A_205 = arith.addi %add3A_204, %add3A_185 : i32
        %dma_start3A_206 = arith.constant 0 : i32
        %dma_start3A_207 = arith.constant 0 : i32
        %dma_start3A_208 = tpu.memref_slice %arg7[%dma_start3A_206, %dma_start3A_207] : memref<2x128xi32, #tpu.memory_space<vmem>> -> memref<1x128xi32, #tpu.memory_space<vmem>>
        %dma_start3A_209 = tpu.memref_squeeze %dma_start3A_208 : memref<1x128xi32, #tpu.memory_space<vmem>> -> memref<128xi32, #tpu.memory_space<vmem>>
        %dma_start3A_210 = tpu.memref_slice %arg3[%add3A_205] : memref<320000xi32, #tpu.memory_space<hbm>> -> memref<128xi32, #tpu.memory_space<hbm>>
        %dma_start3A_211 = arith.constant 0 : i32
        %dma_start3A_212 = tpu.memref_slice %arg7[%dma_start3A_206, %dma_start3A_211] : memref<2x128xi32, #tpu.memory_space<vmem>> -> memref<1x128xi32, #tpu.memory_space<vmem>>
        %dma_start3A_213 = tpu.memref_squeeze %dma_start3A_212 : memref<1x128xi32, #tpu.memory_space<vmem>> -> memref<128xi32, #tpu.memory_space<vmem>>
        %dma_start3A_214 = tpu.memref_slice %arg3[%add3A_205] : memref<320000xi32, #tpu.memory_space<hbm>> -> memref<128xi32, #tpu.memory_space<hbm>>
        tpu.enqueue_dma source(%dma_start3A_214 : memref<128xi32, #tpu.memory_space<hbm>>) target(%dma_start3A_213 : memref<128xi32, #tpu.memory_space<vmem>>) target_semaphore(%arg13 : memref<!tpu.dma_semaphore, #tpu.memory_space<semaphore_mem>>)
      } else {
      }
      %dma_wait3A_150 = arith.constant 1 : i32
      %dma_wait3A_151 = arith.constant 0 : i32
      %dma_wait3A_152 = arith.constant 0 : i32
      %dma_wait3A_153 = tpu.memref_slice %arg6[%dma_wait3A_150, %dma_wait3A_151, %dma_wait3A_152] : memref<2x128x128xf32, #tpu.memory_space<vmem>> -> memref<1x128x128xf32, #tpu.memory_space<vmem>>
      %dma_wait3A_154 = tpu.memref_squeeze %dma_wait3A_153 : memref<1x128x128xf32, #tpu.memory_space<vmem>> -> memref<128x128xf32, #tpu.memory_space<vmem>>
      %dma_wait3A_155 = arith.constant 0 : i32
      %dma_wait3A_156 = arith.constant 0 : i32
      %dma_wait3A_157 = tpu.memref_slice %arg2[%arg0, %dma_wait3A_155, %dma_wait3A_156] : memref<2x80000x128xf32, #tpu.memory_space<hbm>> -> memref<1x128x128xf32, #tpu.memory_space<hbm>>
      %dma_wait3A_158 = tpu.memref_squeeze %dma_wait3A_157 : memref<1x128x128xf32, #tpu.memory_space<hbm>> -> memref<128x128xf32, #tpu.memory_space<hbm>>
      %dma_wait3A_159 = arith.constant 0 : i32
      %dma_wait3A_160 = arith.constant 0 : i32
      %dma_wait3A_161 = tpu.memref_slice %arg6[%dma_wait3A_150, %dma_wait3A_159, %dma_wait3A_160] : memref<2x128x128xf32, #tpu.memory_space<vmem>> -> memref<1x128x128xf32, #tpu.memory_space<vmem>>
      %dma_wait3A_162 = tpu.memref_squeeze %dma_wait3A_161 : memref<1x128x128xf32, #tpu.memory_space<vmem>> -> memref<128x128xf32, #tpu.memory_space<vmem>>
      %dma_wait3A_163 = arith.constant 0 : i32
      %dma_wait3A_164 = arith.constant 0 : i32
      %dma_wait3A_165 = tpu.memref_slice %arg2[%arg0, %dma_wait3A_163, %dma_wait3A_164] : memref<2x80000x128xf32, #tpu.memory_space<hbm>> -> memref<1x128x128xf32, #tpu.memory_space<hbm>>
      %dma_wait3A_166 = tpu.memref_squeeze %dma_wait3A_165 : memref<1x128x128xf32, #tpu.memory_space<hbm>> -> memref<128x128xf32, #tpu.memory_space<hbm>>
      tpu.wait_dma2 semaphore(%arg12 : memref<!tpu.dma_semaphore, #tpu.memory_space<semaphore_mem>>) src(%dma_wait3A_166 : memref<128x128xf32, #tpu.memory_space<hbm>>) dst(%dma_wait3A_162 : memref<128x128xf32, #tpu.memory_space<vmem>>)
      %dma_wait3A_167 = arith.constant 1 : i32
      %dma_wait3A_168 = arith.constant 0 : i32
      %dma_wait3A_169 = tpu.memref_slice %arg7[%dma_wait3A_167, %dma_wait3A_168] : memref<2x128xi32, #tpu.memory_space<vmem>> -> memref<1x128xi32, #tpu.memory_space<vmem>>
      %dma_wait3A_170 = tpu.memref_squeeze %dma_wait3A_169 : memref<1x128xi32, #tpu.memory_space<vmem>> -> memref<128xi32, #tpu.memory_space<vmem>>
      %dma_wait3A_171 = arith.constant 0 : i32
      %dma_wait3A_172 = tpu.memref_slice %arg3[%dma_wait3A_171] : memref<320000xi32, #tpu.memory_space<hbm>> -> memref<128xi32, #tpu.memory_space<hbm>>
      %dma_wait3A_173 = arith.constant 0 : i32
      %dma_wait3A_174 = tpu.memref_slice %arg7[%dma_wait3A_167, %dma_wait3A_173] : memref<2x128xi32, #tpu.memory_space<vmem>> -> memref<1x128xi32, #tpu.memory_space<vmem>>
      %dma_wait3A_175 = tpu.memref_squeeze %dma_wait3A_174 : memref<1x128xi32, #tpu.memory_space<vmem>> -> memref<128xi32, #tpu.memory_space<vmem>>
      %dma_wait3A_176 = arith.constant 0 : i32
      %dma_wait3A_177 = tpu.memref_slice %arg3[%dma_wait3A_176] : memref<320000xi32, #tpu.memory_space<hbm>> -> memref<128xi32, #tpu.memory_space<hbm>>
      tpu.wait_dma2 semaphore(%arg14 : memref<!tpu.dma_semaphore, #tpu.memory_space<semaphore_mem>>) src(%dma_wait3A_177 : memref<128xi32, #tpu.memory_space<hbm>>) dst(%dma_wait3A_175 : memref<128xi32, #tpu.memory_space<vmem>>)
      %run_scoped3A_178 = arith.constant 1 : i32
      %run_scoped3A_179 = arith.constant 1 : i32
      "tpu.region"() ({
        %run_scoped3A_181 = tpu.sem_alloc : memref<!tpu.dma_semaphore, #tpu.memory_space<semaphore_mem>>
        %dma_start3A_182 = arith.constant 0 : i32
        %dma_start3A_183 = arith.constant 0 : i32
        %dma_start3A_184 = tpu.memref_slice %arg6[%run_scoped3A_178, %dma_start3A_182, %dma_start3A_183] : memref<2x128x128xf32, #tpu.memory_space<vmem>> -> memref<1x128x128xf32, #tpu.memory_space<vmem>>
        %dma_start3A_185 = tpu.memref_squeeze %dma_start3A_184 : memref<1x128x128xf32, #tpu.memory_space<vmem>> -> memref<128x128xf32, #tpu.memory_space<vmem>>
        %dma_start3A_186 = arith.constant 0 : i32
        %dma_start3A_187 = tpu.memref_slice %arg7[%run_scoped3A_179, %dma_start3A_186] : memref<2x128xi32, #tpu.memory_space<vmem>> -> memref<1x128xi32, #tpu.memory_space<vmem>>
        %dma_start3A_188 = tpu.memref_squeeze %dma_start3A_187 : memref<1x128xi32, #tpu.memory_space<vmem>> -> memref<128xi32, #tpu.memory_space<vmem>>
        %dma_start3A_189 = arith.constant 0 : i32
        %dma_start3A_190 = arith.constant 0 : i32
        %dma_start3A_191 = tpu.memref_slice %arg10[%dma_start3A_189, %dma_start3A_190] : memref<10112x128xf32, #tpu.memory_space<vmem_shared>> -> memref<10112x128xf32, #tpu.memory_space<vmem_shared>>
        tpu.enqueue_indirect_dma source(%dma_start3A_185 : memref<128x128xf32, #tpu.memory_space<vmem>>) target(%dma_start3A_191 : memref<10112x128xf32, #tpu.memory_space<vmem_shared>>) offsets(%dma_start3A_188 : memref<128xi32, #tpu.memory_space<vmem>>) semaphore(%run_scoped3A_181 : memref<!tpu.dma_semaphore, #tpu.memory_space<semaphore_mem>>) {add = true}
        %dma_wait3A_192 = arith.constant 0 : i32
        %dma_wait3A_193 = arith.constant 0 : i32
        %dma_wait3A_194 = tpu.memref_slice %arg6[%run_scoped3A_178, %dma_wait3A_192, %dma_wait3A_193] : memref<2x128x128xf32, #tpu.memory_space<vmem>> -> memref<1x128x128xf32, #tpu.memory_space<vmem>>
        %dma_wait3A_195 = tpu.memref_squeeze %dma_wait3A_194 : memref<1x128x128xf32, #tpu.memory_space<vmem>> -> memref<128x128xf32, #tpu.memory_space<vmem>>
        %dma_wait3A_196 = arith.constant 0 : i32
        %dma_wait3A_197 = tpu.memref_slice %arg7[%run_scoped3A_179, %dma_wait3A_196] : memref<2x128xi32, #tpu.memory_space<vmem>> -> memref<1x128xi32, #tpu.memory_space<vmem>>
        %dma_wait3A_198 = tpu.memref_squeeze %dma_wait3A_197 : memref<1x128xi32, #tpu.memory_space<vmem>> -> memref<128xi32, #tpu.memory_space<vmem>>
        %dma_wait3A_199 = arith.constant 0 : i32
        %dma_wait3A_200 = arith.constant 0 : i32
        %dma_wait3A_201 = tpu.memref_slice %arg10[%dma_wait3A_199, %dma_wait3A_200] : memref<10112x128xf32, #tpu.memory_space<vmem_shared>> -> memref<10112x128xf32, #tpu.memory_space<vmem_shared>>
        tpu.wait_indirect_dma semaphore(%run_scoped3A_181 : memref<!tpu.dma_semaphore, #tpu.memory_space<semaphore_mem>>) src(%dma_wait3A_195 : memref<128x128xf32, #tpu.memory_space<vmem>>) dst(%dma_wait3A_201 : memref<10112x128xf32, #tpu.memory_space<vmem_shared>>)
        tpu.yield
      }) : () -> ()
      %scan3A_180 = arith.constant 0 : i32
      scf.yield %scan3A_180 : i32
    }
    %scan3A_37 = arith.constant 19 : i32
    %dma_wait3A = arith.constant 0 : i32
    %dma_wait3A_38 = arith.constant 0 : i32
    %dma_wait3A_39 = arith.constant 0 : i32
    %dma_wait3A_40 = tpu.memref_slice %arg6[%dma_wait3A, %dma_wait3A_38, %dma_wait3A_39] : memref<2x128x128xf32, #tpu.memory_space<vmem>> -> memref<1x128x128xf32, #tpu.memory_space<vmem>>
    %dma_wait3A_41 = tpu.memref_squeeze %dma_wait3A_40 : memref<1x128x128xf32, #tpu.memory_space<vmem>> -> memref<128x128xf32, #tpu.memory_space<vmem>>
    %dma_wait3A_42 = arith.constant 0 : i32
    %dma_wait3A_43 = arith.constant 0 : i32
    %dma_wait3A_44 = tpu.memref_slice %arg2[%arg0, %dma_wait3A_42, %dma_wait3A_43] : memref<2x80000x128xf32, #tpu.memory_space<hbm>> -> memref<1x128x128xf32, #tpu.memory_space<hbm>>
    %dma_wait3A_45 = tpu.memref_squeeze %dma_wait3A_44 : memref<1x128x128xf32, #tpu.memory_space<hbm>> -> memref<128x128xf32, #tpu.memory_space<hbm>>
    %dma_wait3A_46 = arith.constant 0 : i32
    %dma_wait3A_47 = arith.constant 0 : i32
    %dma_wait3A_48 = tpu.memref_slice %arg6[%dma_wait3A, %dma_wait3A_46, %dma_wait3A_47] : memref<2x128x128xf32, #tpu.memory_space<vmem>> -> memref<1x128x128xf32, #tpu.memory_space<vmem>>
    %dma_wait3A_49 = tpu.memref_squeeze %dma_wait3A_48 : memref<1x128x128xf32, #tpu.memory_space<vmem>> -> memref<128x128xf32, #tpu.memory_space<vmem>>
    %dma_wait3A_50 = arith.constant 0 : i32
    %dma_wait3A_51 = arith.constant 0 : i32
    %dma_wait3A_52 = tpu.memref_slice %arg2[%arg0, %dma_wait3A_50, %dma_wait3A_51] : memref<2x80000x128xf32, #tpu.memory_space<hbm>> -> memref<1x128x128xf32, #tpu.memory_space<hbm>>
    %dma_wait3A_53 = tpu.memref_squeeze %dma_wait3A_52 : memref<1x128x128xf32, #tpu.memory_space<hbm>> -> memref<128x128xf32, #tpu.memory_space<hbm>>
    tpu.wait_dma2 semaphore(%arg11 : memref<!tpu.dma_semaphore, #tpu.memory_space<semaphore_mem>>) src(%dma_wait3A_53 : memref<128x128xf32, #tpu.memory_space<hbm>>) dst(%dma_wait3A_49 : memref<128x128xf32, #tpu.memory_space<vmem>>)
    %dma_wait3A_54 = arith.constant 0 : i32
    %dma_wait3A_55 = arith.constant 0 : i32
    %dma_wait3A_56 = tpu.memref_slice %arg7[%dma_wait3A_54, %dma_wait3A_55] : memref<2x128xi32, #tpu.memory_space<vmem>> -> memref<1x128xi32, #tpu.memory_space<vmem>>
    %dma_wait3A_57 = tpu.memref_squeeze %dma_wait3A_56 : memref<1x128xi32, #tpu.memory_space<vmem>> -> memref<128xi32, #tpu.memory_space<vmem>>
    %dma_wait3A_58 = arith.constant 0 : i32
    %dma_wait3A_59 = tpu.memref_slice %arg3[%dma_wait3A_58] : memref<320000xi32, #tpu.memory_space<hbm>> -> memref<128xi32, #tpu.memory_space<hbm>>
    %dma_wait3A_60 = arith.constant 0 : i32
    %dma_wait3A_61 = tpu.memref_slice %arg7[%dma_wait3A_54, %dma_wait3A_60] : memref<2x128xi32, #tpu.memory_space<vmem>> -> memref<1x128xi32, #tpu.memory_space<vmem>>
    %dma_wait3A_62 = tpu.memref_squeeze %dma_wait3A_61 : memref<1x128xi32, #tpu.memory_space<vmem>> -> memref<128xi32, #tpu.memory_space<vmem>>
    %dma_wait3A_63 = arith.constant 0 : i32
    %dma_wait3A_64 = tpu.memref_slice %arg3[%dma_wait3A_63] : memref<320000xi32, #tpu.memory_space<hbm>> -> memref<128xi32, #tpu.memory_space<hbm>>
    tpu.wait_dma2 semaphore(%arg13 : memref<!tpu.dma_semaphore, #tpu.memory_space<semaphore_mem>>) src(%dma_wait3A_64 : memref<128xi32, #tpu.memory_space<hbm>>) dst(%dma_wait3A_62 : memref<128xi32, #tpu.memory_space<vmem>>)
    %run_scoped3A = arith.constant 0 : i32
    %run_scoped3A_65 = arith.constant 0 : i32
    "tpu.region"() ({
      %run_scoped3A_78 = tpu.sem_alloc : memref<!tpu.dma_semaphore, #tpu.memory_space<semaphore_mem>>
      %dma_start3A_79 = arith.constant 0 : i32
      %dma_start3A_80 = arith.constant 0 : i32
      %dma_start3A_81 = tpu.memref_slice %arg6[%run_scoped3A, %dma_start3A_79, %dma_start3A_80] : memref<2x128x128xf32, #tpu.memory_space<vmem>> -> memref<1x128x128xf32, #tpu.memory_space<vmem>>
      %dma_start3A_82 = tpu.memref_squeeze %dma_start3A_81 : memref<1x128x128xf32, #tpu.memory_space<vmem>> -> memref<128x128xf32, #tpu.memory_space<vmem>>
      %dma_start3A_83 = arith.constant 0 : i32
      %dma_start3A_84 = tpu.memref_slice %arg7[%run_scoped3A_65, %dma_start3A_83] : memref<2x128xi32, #tpu.memory_space<vmem>> -> memref<1x128xi32, #tpu.memory_space<vmem>>
      %dma_start3A_85 = tpu.memref_squeeze %dma_start3A_84 : memref<1x128xi32, #tpu.memory_space<vmem>> -> memref<128xi32, #tpu.memory_space<vmem>>
      %dma_start3A_86 = arith.constant 0 : i32
      %dma_start3A_87 = arith.constant 0 : i32
      %dma_start3A_88 = tpu.memref_slice %arg10[%dma_start3A_86, %dma_start3A_87] : memref<10112x128xf32, #tpu.memory_space<vmem_shared>> -> memref<10112x128xf32, #tpu.memory_space<vmem_shared>>
      tpu.enqueue_indirect_dma source(%dma_start3A_82 : memref<128x128xf32, #tpu.memory_space<vmem>>) target(%dma_start3A_88 : memref<10112x128xf32, #tpu.memory_space<vmem_shared>>) offsets(%dma_start3A_85 : memref<128xi32, #tpu.memory_space<vmem>>) semaphore(%run_scoped3A_78 : memref<!tpu.dma_semaphore, #tpu.memory_space<semaphore_mem>>) {add = true}
      %dma_wait3A_89 = arith.constant 0 : i32
      %dma_wait3A_90 = arith.constant 0 : i32
      %dma_wait3A_91 = tpu.memref_slice %arg6[%run_scoped3A, %dma_wait3A_89, %dma_wait3A_90] : memref<2x128x128xf32, #tpu.memory_space<vmem>> -> memref<1x128x128xf32, #tpu.memory_space<vmem>>
      %dma_wait3A_92 = tpu.memref_squeeze %dma_wait3A_91 : memref<1x128x128xf32, #tpu.memory_space<vmem>> -> memref<128x128xf32, #tpu.memory_space<vmem>>
      %dma_wait3A_93 = arith.constant 0 : i32
      %dma_wait3A_94 = tpu.memref_slice %arg7[%run_scoped3A_65, %dma_wait3A_93] : memref<2x128xi32, #tpu.memory_space<vmem>> -> memref<1x128xi32, #tpu.memory_space<vmem>>
      %dma_wait3A_95 = tpu.memref_squeeze %dma_wait3A_94 : memref<1x128xi32, #tpu.memory_space<vmem>> -> memref<128xi32, #tpu.memory_space<vmem>>
      %dma_wait3A_96 = arith.constant 0 : i32
      %dma_wait3A_97 = arith.constant 0 : i32
      %dma_wait3A_98 = tpu.memref_slice %arg10[%dma_wait3A_96, %dma_wait3A_97] : memref<10112x128xf32, #tpu.memory_space<vmem_shared>> -> memref<10112x128xf32, #tpu.memory_space<vmem_shared>>
      tpu.wait_indirect_dma semaphore(%run_scoped3A_78 : memref<!tpu.dma_semaphore, #tpu.memory_space<semaphore_mem>>) src(%dma_wait3A_92 : memref<128x128xf32, #tpu.memory_space<vmem>>) dst(%dma_wait3A_98 : memref<10112x128xf32, #tpu.memory_space<vmem_shared>>)
      tpu.yield
    }) : () -> ()
    %add3A_66 = arith.constant 4992 : i32
    %add3A_67 = arith.addi %mul3A_2, %add3A_66 : i32
    "tpu.region"() ({
      %run_scoped3A_78 = tpu.sem_alloc : memref<!tpu.dma_semaphore, #tpu.memory_space<semaphore_mem>>
      %dma_start3A_79 = arith.constant 0 : i32
      %dma_start3A_80 = tpu.memref_slice %arg2[%arg0, %add3A_67, %dma_start3A_79] : memref<2x80000x128xf32, #tpu.memory_space<hbm>> -> memref<1x8x128xf32, #tpu.memory_space<hbm>>
      %dma_start3A_81 = tpu.memref_squeeze %dma_start3A_80 : memref<1x8x128xf32, #tpu.memory_space<hbm>> -> memref<8x128xf32, #tpu.memory_space<hbm>>
      %dma_start3A_82 = arith.constant 0 : i32
      %dma_start3A_83 = tpu.memref_slice %arg2[%arg0, %add3A_67, %dma_start3A_82] : memref<2x80000x128xf32, #tpu.memory_space<hbm>> -> memref<1x8x128xf32, #tpu.memory_space<hbm>>
      %dma_start3A_84 = tpu.memref_squeeze %dma_start3A_83 : memref<1x8x128xf32, #tpu.memory_space<hbm>> -> memref<8x128xf32, #tpu.memory_space<hbm>>
      tpu.enqueue_dma source(%dma_start3A_84 : memref<8x128xf32, #tpu.memory_space<hbm>>) target(%arg8 : memref<8x128xf32, #tpu.memory_space<vmem>>) target_semaphore(%run_scoped3A_78 : memref<!tpu.dma_semaphore, #tpu.memory_space<semaphore_mem>>)
      %dma_wait3A_85 = arith.constant 0 : i32
      %dma_wait3A_86 = tpu.memref_slice %arg2[%arg0, %add3A_67, %dma_wait3A_85] : memref<2x80000x128xf32, #tpu.memory_space<hbm>> -> memref<1x8x128xf32, #tpu.memory_space<hbm>>
      %dma_wait3A_87 = tpu.memref_squeeze %dma_wait3A_86 : memref<1x8x128xf32, #tpu.memory_space<hbm>> -> memref<8x128xf32, #tpu.memory_space<hbm>>
      %dma_wait3A_88 = arith.constant 0 : i32
      %dma_wait3A_89 = tpu.memref_slice %arg2[%arg0, %add3A_67, %dma_wait3A_88] : memref<2x80000x128xf32, #tpu.memory_space<hbm>> -> memref<1x8x128xf32, #tpu.memory_space<hbm>>
      %dma_wait3A_90 = tpu.memref_squeeze %dma_wait3A_89 : memref<1x8x128xf32, #tpu.memory_space<hbm>> -> memref<8x128xf32, #tpu.memory_space<hbm>>
      tpu.wait_dma2 semaphore(%run_scoped3A_78 : memref<!tpu.dma_semaphore, #tpu.memory_space<semaphore_mem>>) src(%dma_wait3A_90 : memref<8x128xf32, #tpu.memory_space<hbm>>) dst(%arg8 : memref<8x128xf32, #tpu.memory_space<vmem>>)
      tpu.yield
    }) : () -> ()
    %mul3A_68 = arith.constant 160000 : i32
    %mul3A_69 = arith.muli %arg0, %mul3A_68 : i32
    %add3A_70 = arith.constant 0 : i32
    %add3A_71 = arith.addi %mul3A_69, %add3A_70 : i32
    %add3A_72 = arith.addi %add3A_71, %add3A_67 : i32
    "tpu.region"() ({
      %run_scoped3A_78 = tpu.sem_alloc : memref<!tpu.dma_semaphore, #tpu.memory_space<semaphore_mem>>
      %dma_start3A_79 = tpu.memref_slice %arg3[%add3A_72] : memref<320000xi32, #tpu.memory_space<hbm>> -> memref<8xi32, #tpu.memory_space<hbm>>
      %dma_start3A_80 = tpu.memref_slice %arg3[%add3A_72] : memref<320000xi32, #tpu.memory_space<hbm>> -> memref<8xi32, #tpu.memory_space<hbm>>
      tpu.enqueue_dma source(%dma_start3A_80 : memref<8xi32, #tpu.memory_space<hbm>>) target(%arg9 : memref<8xi32, #tpu.memory_space<vmem>>) target_semaphore(%run_scoped3A_78 : memref<!tpu.dma_semaphore, #tpu.memory_space<semaphore_mem>>)
      %dma_wait3A_81 = tpu.memref_slice %arg3[%add3A_72] : memref<320000xi32, #tpu.memory_space<hbm>> -> memref<8xi32, #tpu.memory_space<hbm>>
      %dma_wait3A_82 = tpu.memref_slice %arg3[%add3A_72] : memref<320000xi32, #tpu.memory_space<hbm>> -> memref<8xi32, #tpu.memory_space<hbm>>
      tpu.wait_dma2 semaphore(%run_scoped3A_78 : memref<!tpu.dma_semaphore, #tpu.memory_space<semaphore_mem>>) src(%dma_wait3A_82 : memref<8xi32, #tpu.memory_space<hbm>>) dst(%arg9 : memref<8xi32, #tpu.memory_space<vmem>>)
      tpu.yield
    }) : () -> ()
    "tpu.region"() ({
      %run_scoped3A_78 = tpu.sem_alloc : memref<!tpu.dma_semaphore, #tpu.memory_space<semaphore_mem>>
      %dma_start3A_79 = arith.constant 0 : i32
      %dma_start3A_80 = arith.constant 0 : i32
      %dma_start3A_81 = tpu.memref_slice %arg10[%dma_start3A_79, %dma_start3A_80] : memref<10112x128xf32, #tpu.memory_space<vmem_shared>> -> memref<10112x128xf32, #tpu.memory_space<vmem_shared>>
      tpu.enqueue_indirect_dma source(%arg8 : memref<8x128xf32, #tpu.memory_space<vmem>>) target(%dma_start3A_81 : memref<10112x128xf32, #tpu.memory_space<vmem_shared>>) offsets(%arg9 : memref<8xi32, #tpu.memory_space<vmem>>) semaphore(%run_scoped3A_78 : memref<!tpu.dma_semaphore, #tpu.memory_space<semaphore_mem>>) {add = true}
      %dma_wait3A_82 = arith.constant 0 : i32
      %dma_wait3A_83 = arith.constant 0 : i32
      %dma_wait3A_84 = tpu.memref_slice %arg10[%dma_wait3A_82, %dma_wait3A_83] : memref<10112x128xf32, #tpu.memory_space<vmem_shared>> -> memref<10112x128xf32, #tpu.memory_space<vmem_shared>>
      tpu.wait_indirect_dma semaphore(%run_scoped3A_78 : memref<!tpu.dma_semaphore, #tpu.memory_space<semaphore_mem>>) src(%arg8 : memref<8x128xf32, #tpu.memory_space<vmem>>) dst(%dma_wait3A_84 : memref<10112x128xf32, #tpu.memory_space<vmem_shared>>)
      tpu.yield
    }) : () -> ()
    %barrier3A_73 = arith.constant 0 : index
    tpu.barrier barrier_id(%barrier3A_73)
    %mul3A_74 = arith.constant 632 : i32
    %mul3A_75 = arith.muli %arg1, %mul3A_74 : i32
    %mul3A_76 = arith.constant 632 : i32
    %mul3A_77 = arith.muli %arg1, %mul3A_76 : i32
    "tpu.region"() ({
      %run_scoped3A_78 = tpu.sem_alloc : memref<!tpu.dma_semaphore, #tpu.memory_space<semaphore_mem>>
      %dma_start3A_79 = arith.constant 0 : i32
      %dma_start3A_80 = tpu.memref_slice %arg5[%arg0, %mul3A_77, %dma_start3A_79] : memref<2x10112x128xf32, #tpu.memory_space<hbm>> -> memref<1x632x128xf32, #tpu.memory_space<hbm>>
      %dma_start3A_81 = tpu.memref_squeeze %dma_start3A_80 : memref<1x632x128xf32, #tpu.memory_space<hbm>> -> memref<632x128xf32, #tpu.memory_space<hbm>>
      %dma_start3A_82 = arith.constant 0 : i32
      %dma_start3A_83 = tpu.memref_slice %arg10[%mul3A_75, %dma_start3A_82] : memref<10112x128xf32, #tpu.memory_space<vmem_shared>> -> memref<632x128xf32, #tpu.memory_space<vmem_shared>>
      tpu.enqueue_dma source(%dma_start3A_83 : memref<632x128xf32, #tpu.memory_space<vmem_shared>>) target(%dma_start3A_81 : memref<632x128xf32, #tpu.memory_space<hbm>>) target_semaphore(%run_scoped3A_78 : memref<!tpu.dma_semaphore, #tpu.memory_space<semaphore_mem>>)
      %dma_wait3A_84 = arith.constant 0 : i32
      %dma_wait3A_85 = tpu.memref_slice %arg5[%arg0, %mul3A_77, %dma_wait3A_84] : memref<2x10112x128xf32, #tpu.memory_space<hbm>> -> memref<1x632x128xf32, #tpu.memory_space<hbm>>
      %dma_wait3A_86 = tpu.memref_squeeze %dma_wait3A_85 : memref<1x632x128xf32, #tpu.memory_space<hbm>> -> memref<632x128xf32, #tpu.memory_space<hbm>>
      %dma_wait3A_87 = arith.constant 0 : i32
      %dma_wait3A_88 = tpu.memref_slice %arg10[%mul3A_75, %dma_wait3A_87] : memref<10112x128xf32, #tpu.memory_space<vmem_shared>> -> memref<632x128xf32, #tpu.memory_space<vmem_shared>>
      tpu.wait_dma2 semaphore(%run_scoped3A_78 : memref<!tpu.dma_semaphore, #tpu.memory_space<semaphore_mem>>) src(%dma_wait3A_88 : memref<632x128xf32, #tpu.memory_space<vmem_shared>>) dst(%dma_wait3A_86 : memref<632x128xf32, #tpu.memory_space<hbm>>)
      tpu.yield
    }) : () -> ()
    return
  }
}

module attributes {stable_mosaic.version = 14 : i64} {
  func.func @_edge_mlp_kernel(%arg0: i32, %arg1: memref<64x3200xf32, #tpu.memory_space<vmem>>, %arg2: memref<64x3200xf32, #tpu.memory_space<vmem>>, %arg3: memref<1x3200xf32, #tpu.memory_space<vmem>>, %arg4: memref<1x3200xf32, #tpu.memory_space<vmem>>, %arg5: memref<128x128xf32, #tpu.memory_space<vmem>>, %arg6: memref<128x1xf32, #tpu.memory_space<vmem>>, %arg7: memref<128x1xf32, #tpu.memory_space<vmem>>, %arg8: memref<128x1xf32, #tpu.memory_space<vmem>>, %arg9: memref<128x128xf32, #tpu.memory_space<vmem>>, %arg10: memref<2x3200x128xf32, #tpu.memory_space<vmem>>) attributes {dimension_semantics = [#tpu.dimension_semantics<arbitrary>], iteration_bounds = array<i64: 25>, scalar_prefetch = 0 : i64, scratch_operands = 0 : i64, tpu.core_type = #tpu.core_type<tc>, window_params = [{transform_indices = @transform_0, window_bounds = array<i64: 64, 3200>}, {transform_indices = @transform_1, window_bounds = array<i64: 64, 3200>}, {transform_indices = @transform_2, window_bounds = array<i64: 1, 3200>}, {transform_indices = @transform_3, window_bounds = array<i64: 1, 3200>}, {pipeline_mode = #tpu.pipeline_mode<synchronous>, transform_indices = @transform_4, window_bounds = array<i64: 128, 128>}, {pipeline_mode = #tpu.pipeline_mode<synchronous>, transform_indices = @transform_5, window_bounds = array<i64: 128, 1>}, {pipeline_mode = #tpu.pipeline_mode<synchronous>, transform_indices = @transform_6, window_bounds = array<i64: 128, 1>}, {pipeline_mode = #tpu.pipeline_mode<synchronous>, transform_indices = @transform_7, window_bounds = array<i64: 128, 1>}, {pipeline_mode = #tpu.pipeline_mode<synchronous>, transform_indices = @transform_8, window_bounds = array<i64: 128, 128>}, {transform_indices = @transform_9, window_bounds = array<i64: 2, 3200, 128>}]} {
    %get3A = arith.constant 0 : index
    %get3A_0 = arith.constant 0 : index
    %get3A_1 = vector.load %arg1[%get3A, %get3A_0] : memref<64x3200xf32, #tpu.memory_space<vmem>>, vector<64x3200xf32>
    %get3A_2 = arith.constant 0 : index
    %get3A_3 = arith.constant 0 : index
    %get3A_4 = vector.load %arg2[%get3A_2, %get3A_3] : memref<64x3200xf32, #tpu.memory_space<vmem>>, vector<64x3200xf32>
    %concatenate3A = tpu.concatenate %get3A_1, %get3A_4 in 0 : vector<64x3200xf32>, vector<64x3200xf32> -> vector<128x3200xf32>
    %get3A_5 = arith.constant 0 : index
    %get3A_6 = arith.constant 0 : index
    %get3A_7 = vector.load %arg5[%get3A_5, %get3A_6] : memref<128x128xf32, #tpu.memory_space<vmem>>, vector<128x128xf32>
    %dot_general3A = arith.constant dense<0.000000e+00> : vector<128x3200xf32>
    %dot_general3A_8 = tpu.matmul %get3A_7, %concatenate3A, %dot_general3A {dimension_numbers = #tpu.dot_dimension_numbers<[1], [0], [0], [1], [0, 0, 1, 1], [], []>, transpose_lhs_hint = false} : vector<128x128xf32>, vector<128x3200xf32>, vector<128x3200xf32> -> vector<128x3200xf32>
    %get3A_9 = arith.constant 0 : index
    %get3A_10 = arith.constant 0 : index
    %get3A_11 = vector.load %arg6[%get3A_9, %get3A_10] : memref<128x1xf32, #tpu.memory_space<vmem>>, vector<128x1xf32>
    %add3A = vector.broadcast %get3A_11 : vector<128x1xf32> to vector<128x3200xf32>
    %add3A_12 = arith.addf %dot_general3A_8, %add3A : vector<128x3200xf32>
    %get3A_13 = arith.constant 0 : index
    %get3A_14 = arith.constant 0 : index
    %get3A_15 = vector.load %arg9[%get3A_13, %get3A_14] : memref<128x128xf32, #tpu.memory_space<vmem>>, vector<128x128xf32>
    %dot_general3A_16 = arith.constant dense<0.000000e+00> : vector<128x3200xf32>
    %dot_general3A_17 = tpu.matmul %get3A_15, %add3A_12, %dot_general3A_16 {dimension_numbers = #tpu.dot_dimension_numbers<[1], [0], [0], [1], [0, 0, 1, 1], [], []>, transpose_lhs_hint = false} : vector<128x128xf32>, vector<128x3200xf32>, vector<128x3200xf32> -> vector<128x3200xf32>
    %mul3A = arith.mulf %add3A_12, %add3A_12 : vector<128x3200xf32>
    %dot_general3A_18 = arith.constant dense<0.000000e+00> : vector<128x3200xf32>
    %dot_general3A_19 = tpu.matmul %get3A_15, %mul3A, %dot_general3A_18 {dimension_numbers = #tpu.dot_dimension_numbers<[1], [0], [0], [1], [0, 0, 1, 1], [], []>, transpose_lhs_hint = false} : vector<128x128xf32>, vector<128x3200xf32>, vector<128x3200xf32> -> vector<128x3200xf32>
    %mul3A_20 = arith.mulf %dot_general3A_17, %dot_general3A_17 : vector<128x3200xf32>
    %sub3A = arith.subf %dot_general3A_19, %mul3A_20 : vector<128x3200xf32>
    %sub3A_21 = arith.subf %add3A_12, %dot_general3A_17 : vector<128x3200xf32>
    %add3A_22 = arith.constant 9.99999974E-6 : f32
    %add3A_23 = vector.broadcast %add3A_22 : f32 to vector<128x3200xf32>
    %add3A_24 = arith.addf %sub3A, %add3A_23 : vector<128x3200xf32>
    %rsqrt3A = math.rsqrt %add3A_24 : vector<128x3200xf32>
    %mul3A_25 = arith.mulf %sub3A_21, %rsqrt3A : vector<128x3200xf32>
    %get3A_26 = arith.constant 0 : index
    %get3A_27 = arith.constant 0 : index
    %get3A_28 = vector.load %arg7[%get3A_26, %get3A_27] : memref<128x1xf32, #tpu.memory_space<vmem>>, vector<128x1xf32>
    %mul3A_29 = vector.broadcast %get3A_28 : vector<128x1xf32> to vector<128x3200xf32>
    %mul3A_30 = arith.mulf %mul3A_25, %mul3A_29 : vector<128x3200xf32>
    %get3A_31 = arith.constant 0 : index
    %get3A_32 = arith.constant 0 : index
    %get3A_33 = vector.load %arg8[%get3A_31, %get3A_32] : memref<128x1xf32, #tpu.memory_space<vmem>>, vector<128x1xf32>
    %add3A_34 = vector.broadcast %get3A_33 : vector<128x1xf32> to vector<128x3200xf32>
    %add3A_35 = arith.addf %mul3A_30, %add3A_34 : vector<128x3200xf32>
    %logistic3A = arith.negf %add3A_35 : vector<128x3200xf32>
    %logistic3A_36 = math.exp %logistic3A : vector<128x3200xf32>
    %logistic3A_37 = arith.constant 1.000000e+00 : f32
    %logistic3A_38 = vector.broadcast %logistic3A_37 : f32 to vector<128x3200xf32>
    %logistic3A_39 = arith.addf %logistic3A_38, %logistic3A_36 : vector<128x3200xf32>
    %logistic3A_40 = arith.divf %logistic3A_38, %logistic3A_39 : vector<128x3200xf32>
    %mul3A_41 = arith.mulf %add3A_35, %logistic3A_40 : vector<128x3200xf32>
    %get3A_42 = arith.constant 0 : index
    %get3A_43 = arith.constant 0 : index
    %get3A_44 = vector.load %arg3[%get3A_42, %get3A_43] : memref<1x3200xf32, #tpu.memory_space<vmem>>, vector<1x3200xf32>
    %get3A_45 = arith.constant 0 : index
    %get3A_46 = arith.constant 0 : index
    %get3A_47 = vector.load %arg4[%get3A_45, %get3A_46] : memref<1x3200xf32, #tpu.memory_space<vmem>>, vector<1x3200xf32>
    %slice3A = vector.extract_strided_slice %mul3A_41 {offsets = [0, 0], sizes = [64, 3200], strides = [1, 1]} : vector<128x3200xf32> to vector<64x3200xf32>
    %broadcast_in_dim3A = vector.shape_cast %get3A_44 : vector<1x3200xf32> to vector<1x3200xf32>
    %broadcast_in_dim3A_48 = vector.broadcast %broadcast_in_dim3A : vector<1x3200xf32> to vector<64x3200xf32>
    %mul3A_49 = arith.mulf %slice3A, %broadcast_in_dim3A_48 : vector<64x3200xf32>
    %slice3A_50 = vector.extract_strided_slice %mul3A_41 {offsets = [64, 0], sizes = [64, 3200], strides = [1, 1]} : vector<128x3200xf32> to vector<64x3200xf32>
    %broadcast_in_dim3A_51 = vector.shape_cast %get3A_47 : vector<1x3200xf32> to vector<1x3200xf32>
    %broadcast_in_dim3A_52 = vector.broadcast %broadcast_in_dim3A_51 : vector<1x3200xf32> to vector<64x3200xf32>
    %mul3A_53 = arith.mulf %slice3A_50, %broadcast_in_dim3A_52 : vector<64x3200xf32>
    %broadcast_in_dim3A_54 = arith.constant 1.000000e+00 : f32
    %broadcast_in_dim3A_55 = vector.broadcast %broadcast_in_dim3A_54 : f32 to vector<1x3200xf32>
    %broadcast_in_dim3A_56 = arith.constant 0.000000e+00 : f32
    %broadcast_in_dim3A_57 = vector.broadcast %broadcast_in_dim3A_56 : f32 to vector<62x3200xf32>
    %concatenate3A_58 = tpu.concatenate %mul3A_49, %get3A_44, %broadcast_in_dim3A_55, %broadcast_in_dim3A_57 in 0 : vector<64x3200xf32>, vector<1x3200xf32>, vector<1x3200xf32>, vector<62x3200xf32> -> vector<128x3200xf32>
    %concatenate3A_59 = tpu.concatenate %mul3A_53, %get3A_47, %broadcast_in_dim3A_55, %broadcast_in_dim3A_57 in 0 : vector<64x3200xf32>, vector<1x3200xf32>, vector<1x3200xf32>, vector<62x3200xf32> -> vector<128x3200xf32>
    %transpose3A = tpu.transpose %concatenate3A_58, [1, 0] : vector<128x3200xf32> -> vector<3200x128xf32>
    %swap3A = arith.constant 0 : index
    %swap3A_60 = arith.constant 0 : index
    %swap3A_61 = arith.constant 0 : index
    %swap3A_62 = vector.load %arg10[%swap3A, %swap3A_60, %swap3A_61] : memref<2x3200x128xf32, #tpu.memory_space<vmem>>, vector<1x3200x128xf32>
    %swap3A_63 = vector.shape_cast %swap3A_62 : vector<1x3200x128xf32> to vector<3200x128xf32>
    %swap3A_64 = vector.shape_cast %transpose3A : vector<3200x128xf32> to vector<1x3200x128xf32>
    tpu.vector_store %arg10[%swap3A, %swap3A_60, %swap3A_61], %swap3A_64 {strides = array<i32>} : memref<2x3200x128xf32, #tpu.memory_space<vmem>>, vector<1x3200x128xf32>,
    %transpose3A_65 = tpu.transpose %concatenate3A_59, [1, 0] : vector<128x3200xf32> -> vector<3200x128xf32>
    %swap3A_66 = arith.constant 1 : index
    %swap3A_67 = arith.constant 0 : index
    %swap3A_68 = arith.constant 0 : index
    %swap3A_69 = vector.load %arg10[%swap3A_66, %swap3A_67, %swap3A_68] : memref<2x3200x128xf32, #tpu.memory_space<vmem>>, vector<1x3200x128xf32>
    %swap3A_70 = vector.shape_cast %swap3A_69 : vector<1x3200x128xf32> to vector<3200x128xf32>
    %swap3A_71 = vector.shape_cast %transpose3A_65 : vector<3200x128xf32> to vector<1x3200x128xf32>
    tpu.vector_store %arg10[%swap3A_66, %swap3A_67, %swap3A_68], %swap3A_71 {strides = array<i32>} : memref<2x3200x128xf32, #tpu.memory_space<vmem>>, vector<1x3200x128xf32>,
    return
  }
  func.func @transform_0(%arg0: i32) -> (i32, i32) {
    %add3A = arith.constant 25 : i32
    %add3A_0 = arith.addi %arg0, %add3A : i32
    %c0_i32 = arith.constant 0 : i32
    %c0_i32_1 = arith.constant 0 : i32
    return %c0_i32, %add3A_0 : i32, i32
  }
  func.func @transform_1(%arg0: i32) -> (i32, i32) {
    %add3A = arith.constant 25 : i32
    %add3A_0 = arith.addi %arg0, %add3A : i32
    %add3A_1 = arith.constant 50 : i32
    %add3A_2 = arith.addi %add3A_0, %add3A_1 : i32
    %c0_i32 = arith.constant 0 : i32
    %c0_i32_3 = arith.constant 0 : i32
    return %c0_i32, %add3A_2 : i32, i32
  }
  func.func @transform_2(%arg0: i32) -> (i32, i32) {
    %add3A = arith.constant 25 : i32
    %add3A_0 = arith.addi %arg0, %add3A : i32
    %c0_i32 = arith.constant 0 : i32
    %c0_i32_1 = arith.constant 0 : i32
    return %c0_i32, %add3A_0 : i32, i32
  }
  func.func @transform_3(%arg0: i32) -> (i32, i32) {
    %add3A = arith.constant 25 : i32
    %add3A_0 = arith.addi %arg0, %add3A : i32
    %add3A_1 = arith.constant 50 : i32
    %add3A_2 = arith.addi %add3A_0, %add3A_1 : i32
    %c0_i32 = arith.constant 0 : i32
    %c0_i32_3 = arith.constant 0 : i32
    return %c0_i32, %add3A_2 : i32, i32
  }
  func.func @transform_4(%arg0: i32) -> (i32, i32) {
    %c0_i32 = arith.constant 0 : i32
    %c0_i32_0 = arith.constant 0 : i32
    %c0_i32_1 = arith.constant 0 : i32
    return %c0_i32, %c0_i32_0 : i32, i32
  }
  func.func @transform_5(%arg0: i32) -> (i32, i32) {
    %c0_i32 = arith.constant 0 : i32
    %c0_i32_0 = arith.constant 0 : i32
    %c0_i32_1 = arith.constant 0 : i32
    return %c0_i32, %c0_i32_0 : i32, i32
  }
  func.func @transform_6(%arg0: i32) -> (i32, i32) {
    %c0_i32 = arith.constant 0 : i32
    %c0_i32_0 = arith.constant 0 : i32
    %c0_i32_1 = arith.constant 0 : i32
    return %c0_i32, %c0_i32_0 : i32, i32
  }
  func.func @transform_7(%arg0: i32) -> (i32, i32) {
    %c0_i32 = arith.constant 0 : i32
    %c0_i32_0 = arith.constant 0 : i32
    %c0_i32_1 = arith.constant 0 : i32
    return %c0_i32, %c0_i32_0 : i32, i32
  }
  func.func @transform_8(%arg0: i32) -> (i32, i32) {
    %c0_i32 = arith.constant 0 : i32
    %c0_i32_0 = arith.constant 0 : i32
    %c0_i32_1 = arith.constant 0 : i32
    return %c0_i32, %c0_i32_0 : i32, i32
  }
  func.func @transform_9(%arg0: i32) -> (i32, i32, i32) {
    %c0_i32 = arith.constant 0 : i32
    %c0_i32_0 = arith.constant 0 : i32
    %c0_i32_1 = arith.constant 0 : i32
    return %c0_i32, %arg0, %c0_i32_0 : i32, i32, i32
  }
}

module attributes {stable_mosaic.version = 14 : i64} {
  func.func @_edge_mlp_kernel(%arg0: i32, %arg1: memref<64x3200xf32, #tpu.memory_space<vmem>>, %arg2: memref<64x3200xf32, #tpu.memory_space<vmem>>, %arg3: memref<1x3200xf32, #tpu.memory_space<vmem>>, %arg4: memref<1x3200xf32, #tpu.memory_space<vmem>>, %arg5: memref<128x128xf32, #tpu.memory_space<vmem>>, %arg6: memref<128x1xf32, #tpu.memory_space<vmem>>, %arg7: memref<128x1xf32, #tpu.memory_space<vmem>>, %arg8: memref<128x1xf32, #tpu.memory_space<vmem>>, %arg9: memref<128x128xf32, #tpu.memory_space<vmem>>, %arg10: memref<2x3200x128xf32, #tpu.memory_space<vmem>>) attributes {dimension_semantics = [#tpu.dimension_semantics<arbitrary>], iteration_bounds = array<i64: 25>, scalar_prefetch = 0 : i64, scratch_operands = 0 : i64, tpu.core_type = #tpu.core_type<tc>, window_params = [{transform_indices = @transform_0, window_bounds = array<i64: 64, 3200>}, {transform_indices = @transform_1, window_bounds = array<i64: 64, 3200>}, {transform_indices = @transform_2, window_bounds = array<i64: 1, 3200>}, {transform_indices = @transform_3, window_bounds = array<i64: 1, 3200>}, {pipeline_mode = #tpu.pipeline_mode<synchronous>, transform_indices = @transform_4, window_bounds = array<i64: 128, 128>}, {pipeline_mode = #tpu.pipeline_mode<synchronous>, transform_indices = @transform_5, window_bounds = array<i64: 128, 1>}, {pipeline_mode = #tpu.pipeline_mode<synchronous>, transform_indices = @transform_6, window_bounds = array<i64: 128, 1>}, {pipeline_mode = #tpu.pipeline_mode<synchronous>, transform_indices = @transform_7, window_bounds = array<i64: 128, 1>}, {pipeline_mode = #tpu.pipeline_mode<synchronous>, transform_indices = @transform_8, window_bounds = array<i64: 128, 128>}, {transform_indices = @transform_9, window_bounds = array<i64: 2, 3200, 128>}]} {
    %get3A = arith.constant 0 : index
    %get3A_0 = arith.constant 0 : index
    %get3A_1 = vector.load %arg1[%get3A, %get3A_0] : memref<64x3200xf32, #tpu.memory_space<vmem>>, vector<64x3200xf32>
    %get3A_2 = arith.constant 0 : index
    %get3A_3 = arith.constant 0 : index
    %get3A_4 = vector.load %arg2[%get3A_2, %get3A_3] : memref<64x3200xf32, #tpu.memory_space<vmem>>, vector<64x3200xf32>
    %concatenate3A = tpu.concatenate %get3A_1, %get3A_4 in 0 : vector<64x3200xf32>, vector<64x3200xf32> -> vector<128x3200xf32>
    %get3A_5 = arith.constant 0 : index
    %get3A_6 = arith.constant 0 : index
    %get3A_7 = vector.load %arg5[%get3A_5, %get3A_6] : memref<128x128xf32, #tpu.memory_space<vmem>>, vector<128x128xf32>
    %dot_general3A = arith.constant dense<0.000000e+00> : vector<128x3200xf32>
    %dot_general3A_8 = tpu.matmul %get3A_7, %concatenate3A, %dot_general3A {dimension_numbers = #tpu.dot_dimension_numbers<[1], [0], [0], [1], [0, 0, 1, 1], [], []>, transpose_lhs_hint = false} : vector<128x128xf32>, vector<128x3200xf32>, vector<128x3200xf32> -> vector<128x3200xf32>
    %get3A_9 = arith.constant 0 : index
    %get3A_10 = arith.constant 0 : index
    %get3A_11 = vector.load %arg6[%get3A_9, %get3A_10] : memref<128x1xf32, #tpu.memory_space<vmem>>, vector<128x1xf32>
    %add3A = vector.broadcast %get3A_11 : vector<128x1xf32> to vector<128x3200xf32>
    %add3A_12 = arith.addf %dot_general3A_8, %add3A : vector<128x3200xf32>
    %get3A_13 = arith.constant 0 : index
    %get3A_14 = arith.constant 0 : index
    %get3A_15 = vector.load %arg9[%get3A_13, %get3A_14] : memref<128x128xf32, #tpu.memory_space<vmem>>, vector<128x128xf32>
    %dot_general3A_16 = arith.constant dense<0.000000e+00> : vector<128x3200xf32>
    %dot_general3A_17 = tpu.matmul %get3A_15, %add3A_12, %dot_general3A_16 {dimension_numbers = #tpu.dot_dimension_numbers<[1], [0], [0], [1], [0, 0, 1, 1], [], []>, transpose_lhs_hint = false} : vector<128x128xf32>, vector<128x3200xf32>, vector<128x3200xf32> -> vector<128x3200xf32>
    %mul3A = arith.mulf %add3A_12, %add3A_12 : vector<128x3200xf32>
    %dot_general3A_18 = arith.constant dense<0.000000e+00> : vector<128x3200xf32>
    %dot_general3A_19 = tpu.matmul %get3A_15, %mul3A, %dot_general3A_18 {dimension_numbers = #tpu.dot_dimension_numbers<[1], [0], [0], [1], [0, 0, 1, 1], [], []>, transpose_lhs_hint = false} : vector<128x128xf32>, vector<128x3200xf32>, vector<128x3200xf32> -> vector<128x3200xf32>
    %mul3A_20 = arith.mulf %dot_general3A_17, %dot_general3A_17 : vector<128x3200xf32>
    %sub3A = arith.subf %dot_general3A_19, %mul3A_20 : vector<128x3200xf32>
    %sub3A_21 = arith.subf %add3A_12, %dot_general3A_17 : vector<128x3200xf32>
    %add3A_22 = arith.constant 9.99999974E-6 : f32
    %add3A_23 = vector.broadcast %add3A_22 : f32 to vector<128x3200xf32>
    %add3A_24 = arith.addf %sub3A, %add3A_23 : vector<128x3200xf32>
    %rsqrt3A = math.rsqrt %add3A_24 : vector<128x3200xf32>
    %mul3A_25 = arith.mulf %sub3A_21, %rsqrt3A : vector<128x3200xf32>
    %get3A_26 = arith.constant 0 : index
    %get3A_27 = arith.constant 0 : index
    %get3A_28 = vector.load %arg7[%get3A_26, %get3A_27] : memref<128x1xf32, #tpu.memory_space<vmem>>, vector<128x1xf32>
    %mul3A_29 = vector.broadcast %get3A_28 : vector<128x1xf32> to vector<128x3200xf32>
    %mul3A_30 = arith.mulf %mul3A_25, %mul3A_29 : vector<128x3200xf32>
    %get3A_31 = arith.constant 0 : index
    %get3A_32 = arith.constant 0 : index
    %get3A_33 = vector.load %arg8[%get3A_31, %get3A_32] : memref<128x1xf32, #tpu.memory_space<vmem>>, vector<128x1xf32>
    %add3A_34 = vector.broadcast %get3A_33 : vector<128x1xf32> to vector<128x3200xf32>
    %add3A_35 = arith.addf %mul3A_30, %add3A_34 : vector<128x3200xf32>
    %logistic3A = arith.negf %add3A_35 : vector<128x3200xf32>
    %logistic3A_36 = math.exp %logistic3A : vector<128x3200xf32>
    %logistic3A_37 = arith.constant 1.000000e+00 : f32
    %logistic3A_38 = vector.broadcast %logistic3A_37 : f32 to vector<128x3200xf32>
    %logistic3A_39 = arith.addf %logistic3A_38, %logistic3A_36 : vector<128x3200xf32>
    %logistic3A_40 = arith.divf %logistic3A_38, %logistic3A_39 : vector<128x3200xf32>
    %mul3A_41 = arith.mulf %add3A_35, %logistic3A_40 : vector<128x3200xf32>
    %get3A_42 = arith.constant 0 : index
    %get3A_43 = arith.constant 0 : index
    %get3A_44 = vector.load %arg3[%get3A_42, %get3A_43] : memref<1x3200xf32, #tpu.memory_space<vmem>>, vector<1x3200xf32>
    %get3A_45 = arith.constant 0 : index
    %get3A_46 = arith.constant 0 : index
    %get3A_47 = vector.load %arg4[%get3A_45, %get3A_46] : memref<1x3200xf32, #tpu.memory_space<vmem>>, vector<1x3200xf32>
    %slice3A = vector.extract_strided_slice %mul3A_41 {offsets = [0, 0], sizes = [64, 3200], strides = [1, 1]} : vector<128x3200xf32> to vector<64x3200xf32>
    %broadcast_in_dim3A = vector.shape_cast %get3A_44 : vector<1x3200xf32> to vector<1x3200xf32>
    %broadcast_in_dim3A_48 = vector.broadcast %broadcast_in_dim3A : vector<1x3200xf32> to vector<64x3200xf32>
    %mul3A_49 = arith.mulf %slice3A, %broadcast_in_dim3A_48 : vector<64x3200xf32>
    %slice3A_50 = vector.extract_strided_slice %mul3A_41 {offsets = [64, 0], sizes = [64, 3200], strides = [1, 1]} : vector<128x3200xf32> to vector<64x3200xf32>
    %broadcast_in_dim3A_51 = vector.shape_cast %get3A_47 : vector<1x3200xf32> to vector<1x3200xf32>
    %broadcast_in_dim3A_52 = vector.broadcast %broadcast_in_dim3A_51 : vector<1x3200xf32> to vector<64x3200xf32>
    %mul3A_53 = arith.mulf %slice3A_50, %broadcast_in_dim3A_52 : vector<64x3200xf32>
    %broadcast_in_dim3A_54 = arith.constant 1.000000e+00 : f32
    %broadcast_in_dim3A_55 = vector.broadcast %broadcast_in_dim3A_54 : f32 to vector<1x3200xf32>
    %broadcast_in_dim3A_56 = arith.constant 0.000000e+00 : f32
    %broadcast_in_dim3A_57 = vector.broadcast %broadcast_in_dim3A_56 : f32 to vector<62x3200xf32>
    %concatenate3A_58 = tpu.concatenate %mul3A_49, %get3A_44, %broadcast_in_dim3A_55, %broadcast_in_dim3A_57 in 0 : vector<64x3200xf32>, vector<1x3200xf32>, vector<1x3200xf32>, vector<62x3200xf32> -> vector<128x3200xf32>
    %concatenate3A_59 = tpu.concatenate %mul3A_53, %get3A_47, %broadcast_in_dim3A_55, %broadcast_in_dim3A_57 in 0 : vector<64x3200xf32>, vector<1x3200xf32>, vector<1x3200xf32>, vector<62x3200xf32> -> vector<128x3200xf32>
    %transpose3A = tpu.transpose %concatenate3A_58, [1, 0] : vector<128x3200xf32> -> vector<3200x128xf32>
    %swap3A = arith.constant 0 : index
    %swap3A_60 = arith.constant 0 : index
    %swap3A_61 = arith.constant 0 : index
    %swap3A_62 = vector.load %arg10[%swap3A, %swap3A_60, %swap3A_61] : memref<2x3200x128xf32, #tpu.memory_space<vmem>>, vector<1x3200x128xf32>
    %swap3A_63 = vector.shape_cast %swap3A_62 : vector<1x3200x128xf32> to vector<3200x128xf32>
    %swap3A_64 = vector.shape_cast %transpose3A : vector<3200x128xf32> to vector<1x3200x128xf32>
    tpu.vector_store %arg10[%swap3A, %swap3A_60, %swap3A_61], %swap3A_64 {strides = array<i32>} : memref<2x3200x128xf32, #tpu.memory_space<vmem>>, vector<1x3200x128xf32>,
    %transpose3A_65 = tpu.transpose %concatenate3A_59, [1, 0] : vector<128x3200xf32> -> vector<3200x128xf32>
    %swap3A_66 = arith.constant 1 : index
    %swap3A_67 = arith.constant 0 : index
    %swap3A_68 = arith.constant 0 : index
    %swap3A_69 = vector.load %arg10[%swap3A_66, %swap3A_67, %swap3A_68] : memref<2x3200x128xf32, #tpu.memory_space<vmem>>, vector<1x3200x128xf32>
    %swap3A_70 = vector.shape_cast %swap3A_69 : vector<1x3200x128xf32> to vector<3200x128xf32>
    %swap3A_71 = vector.shape_cast %transpose3A_65 : vector<3200x128xf32> to vector<1x3200x128xf32>
    tpu.vector_store %arg10[%swap3A_66, %swap3A_67, %swap3A_68], %swap3A_71 {strides = array<i32>} : memref<2x3200x128xf32, #tpu.memory_space<vmem>>, vector<1x3200x128xf32>,
    return
  }
  func.func @transform_0(%arg0: i32) -> (i32, i32) {
    %add3A = arith.constant 0 : i32
    %add3A_0 = arith.addi %arg0, %add3A : i32
    %c0_i32 = arith.constant 0 : i32
    %c0_i32_1 = arith.constant 0 : i32
    return %c0_i32, %add3A_0 : i32, i32
  }
  func.func @transform_1(%arg0: i32) -> (i32, i32) {
    %add3A = arith.constant 0 : i32
    %add3A_0 = arith.addi %arg0, %add3A : i32
    %add3A_1 = arith.constant 50 : i32
    %add3A_2 = arith.addi %add3A_0, %add3A_1 : i32
    %c0_i32 = arith.constant 0 : i32
    %c0_i32_3 = arith.constant 0 : i32
    return %c0_i32, %add3A_2 : i32, i32
  }
  func.func @transform_2(%arg0: i32) -> (i32, i32) {
    %add3A = arith.constant 0 : i32
    %add3A_0 = arith.addi %arg0, %add3A : i32
    %c0_i32 = arith.constant 0 : i32
    %c0_i32_1 = arith.constant 0 : i32
    return %c0_i32, %add3A_0 : i32, i32
  }
  func.func @transform_3(%arg0: i32) -> (i32, i32) {
    %add3A = arith.constant 0 : i32
    %add3A_0 = arith.addi %arg0, %add3A : i32
    %add3A_1 = arith.constant 50 : i32
    %add3A_2 = arith.addi %add3A_0, %add3A_1 : i32
    %c0_i32 = arith.constant 0 : i32
    %c0_i32_3 = arith.constant 0 : i32
    return %c0_i32, %add3A_2 : i32, i32
  }
  func.func @transform_4(%arg0: i32) -> (i32, i32) {
    %c0_i32 = arith.constant 0 : i32
    %c0_i32_0 = arith.constant 0 : i32
    %c0_i32_1 = arith.constant 0 : i32
    return %c0_i32, %c0_i32_0 : i32, i32
  }
  func.func @transform_5(%arg0: i32) -> (i32, i32) {
    %c0_i32 = arith.constant 0 : i32
    %c0_i32_0 = arith.constant 0 : i32
    %c0_i32_1 = arith.constant 0 : i32
    return %c0_i32, %c0_i32_0 : i32, i32
  }
  func.func @transform_6(%arg0: i32) -> (i32, i32) {
    %c0_i32 = arith.constant 0 : i32
    %c0_i32_0 = arith.constant 0 : i32
    %c0_i32_1 = arith.constant 0 : i32
    return %c0_i32, %c0_i32_0 : i32, i32
  }
  func.func @transform_7(%arg0: i32) -> (i32, i32) {
    %c0_i32 = arith.constant 0 : i32
    %c0_i32_0 = arith.constant 0 : i32
    %c0_i32_1 = arith.constant 0 : i32
    return %c0_i32, %c0_i32_0 : i32, i32
  }
  func.func @transform_8(%arg0: i32) -> (i32, i32) {
    %c0_i32 = arith.constant 0 : i32
    %c0_i32_0 = arith.constant 0 : i32
    %c0_i32_1 = arith.constant 0 : i32
    return %c0_i32, %c0_i32_0 : i32, i32
  }
  func.func @transform_9(%arg0: i32) -> (i32, i32, i32) {
    %c0_i32 = arith.constant 0 : i32
    %c0_i32_0 = arith.constant 0 : i32
    %c0_i32_1 = arith.constant 0 : i32
    return %c0_i32, %arg0, %c0_i32_0 : i32, i32, i32
  }
}

module attributes {stable_mosaic.version = 14 : i64} {
  func.func @_proj_kernel(%arg0: i32, %arg1: memref<2x2000x128xf32, #tpu.memory_space<vmem>>, %arg2: memref<2x2000x128xf32, #tpu.memory_space<vmem>>, %arg3: memref<1x128xf32, #tpu.memory_space<vmem>>, %arg4: memref<128xf32, #tpu.memory_space<vmem>>, %arg5: memref<64x128xf32, #tpu.memory_space<vmem>>, %arg6: memref<128xf32, #tpu.memory_space<vmem>>, %arg7: memref<128x128xf32, #tpu.memory_space<vmem>>, %arg8: memref<128xf32, #tpu.memory_space<vmem>>, %arg9: memref<2000x128xf32, #tpu.memory_space<vmem>>) attributes {dimension_semantics = [#tpu.dimension_semantics<arbitrary>], iteration_bounds = array<i64: 5>, scalar_prefetch = 0 : i64, scratch_operands = 0 : i64, tpu.core_type = #tpu.core_type<tc>, window_params = [{transform_indices = @transform_0, window_bounds = array<i64: 2, 2000, 128>}, {transform_indices = @transform_1, window_bounds = array<i64: 2, 2000, 128>}, {pipeline_mode = #tpu.pipeline_mode<synchronous>, transform_indices = @transform_2, window_bounds = array<i64: 1, 128>}, {pipeline_mode = #tpu.pipeline_mode<synchronous>, transform_indices = @transform_3, window_bounds = array<i64: 128>}, {pipeline_mode = #tpu.pipeline_mode<synchronous>, transform_indices = @transform_4, window_bounds = array<i64: 64, 128>}, {pipeline_mode = #tpu.pipeline_mode<synchronous>, transform_indices = @transform_5, window_bounds = array<i64: 128>}, {pipeline_mode = #tpu.pipeline_mode<synchronous>, transform_indices = @transform_6, window_bounds = array<i64: 128, 128>}, {pipeline_mode = #tpu.pipeline_mode<synchronous>, transform_indices = @transform_7, window_bounds = array<i64: 128>}, {transform_indices = @transform_8, window_bounds = array<i64: 2000, 128>}]} {
    %get3A = arith.constant 0 : index
    %get3A_0 = arith.constant 0 : index
    %get3A_1 = arith.constant 0 : index
    %get3A_2 = vector.load %arg1[%get3A, %get3A_0, %get3A_1] : memref<2x2000x128xf32, #tpu.memory_space<vmem>>, vector<1x2000x128xf32>
    %get3A_3 = vector.shape_cast %get3A_2 : vector<1x2000x128xf32> to vector<2000x128xf32>
    %get3A_4 = arith.constant 1 : index
    %get3A_5 = arith.constant 0 : index
    %get3A_6 = arith.constant 0 : index
    %get3A_7 = vector.load %arg1[%get3A_4, %get3A_5, %get3A_6] : memref<2x2000x128xf32, #tpu.memory_space<vmem>>, vector<1x2000x128xf32>
    %get3A_8 = vector.shape_cast %get3A_7 : vector<1x2000x128xf32> to vector<2000x128xf32>
    %add3A = arith.addf %get3A_3, %get3A_8 : vector<2000x128xf32>
    %get3A_9 = arith.constant 0 : index
    %get3A_10 = arith.constant 0 : index
    %get3A_11 = arith.constant 0 : index
    %get3A_12 = vector.load %arg2[%get3A_9, %get3A_10, %get3A_11] : memref<2x2000x128xf32, #tpu.memory_space<vmem>>, vector<1x2000x128xf32>
    %get3A_13 = vector.shape_cast %get3A_12 : vector<1x2000x128xf32> to vector<2000x128xf32>
    %get3A_14 = arith.constant 1 : index
    %get3A_15 = arith.constant 0 : index
    %get3A_16 = arith.constant 0 : index
    %get3A_17 = vector.load %arg2[%get3A_14, %get3A_15, %get3A_16] : memref<2x2000x128xf32, #tpu.memory_space<vmem>>, vector<1x2000x128xf32>
    %get3A_18 = vector.shape_cast %get3A_17 : vector<1x2000x128xf32> to vector<2000x128xf32>
    %add3A_19 = arith.addf %get3A_13, %get3A_18 : vector<2000x128xf32>
    %add3A_20 = arith.addf %add3A, %add3A_19 : vector<2000x128xf32>
    %slice3A = vector.extract_strided_slice %add3A_20 {offsets = [0, 0], sizes = [2000, 64], strides = [1, 1]} : vector<2000x128xf32> to vector<2000x64xf32>
    %slice3A_21 = vector.extract_strided_slice %add3A_20 {offsets = [0, 64], sizes = [2000, 1], strides = [1, 1]} : vector<2000x128xf32> to vector<2000x1xf32>
    %slice3A_22 = vector.extract_strided_slice %add3A_20 {offsets = [0, 65], sizes = [2000, 1], strides = [1, 1]} : vector<2000x128xf32> to vector<2000x1xf32>
    %get3A_23 = arith.constant 0 : index
    %get3A_24 = arith.constant 0 : index
    %get3A_25 = vector.load %arg3[%get3A_23, %get3A_24] : memref<1x128xf32, #tpu.memory_space<vmem>>, vector<1x128xf32>
    %squeeze3A = vector.shape_cast %get3A_25 : vector<1x128xf32> to vector<128xf32>
    %get3A_26 = arith.constant 0 : index
    %get3A_27 = vector.load %arg4[%get3A_26] : memref<128xf32, #tpu.memory_space<vmem>>, vector<128xf32>
    %add3A_28 = arith.addf %squeeze3A, %get3A_27 : vector<128xf32>
    %get3A_29 = arith.constant 0 : index
    %get3A_30 = arith.constant 0 : index
    %get3A_31 = vector.load %arg5[%get3A_29, %get3A_30] : memref<64x128xf32, #tpu.memory_space<vmem>>, vector<64x128xf32>
    %broadcast_in_dim3A = vector.shape_cast %add3A_28 : vector<128xf32> to vector<1x128xf32>
    %mul3A = vector.broadcast %broadcast_in_dim3A : vector<1x128xf32> to vector<64x128xf32>
    %mul3A_32 = arith.mulf %get3A_31, %mul3A : vector<64x128xf32>
    %get3A_33 = arith.constant 0 : index
    %get3A_34 = arith.constant 0 : index
    %get3A_35 = vector.load %arg7[%get3A_33, %get3A_34] : memref<128x128xf32, #tpu.memory_space<vmem>>, vector<128x128xf32>
    %dot_general3A = arith.constant dense<0.000000e+00> : vector<64x128xf32>
    %dot_general3A_36 = tpu.matmul %mul3A_32, %get3A_35, %dot_general3A {dimension_numbers = #tpu.dot_dimension_numbers<[1], [0], [0], [1], [0, 0, 1, 1], [], []>, transpose_lhs_hint = false} : vector<64x128xf32>, vector<128x128xf32>, vector<64x128xf32> -> vector<64x128xf32>
    %get3A_37 = arith.constant 0 : index
    %get3A_38 = vector.load %arg6[%get3A_37] : memref<128xf32, #tpu.memory_space<vmem>>, vector<128xf32>
    %mul3A_39 = arith.mulf %add3A_28, %get3A_38 : vector<128xf32>
    %broadcast_in_dim3A_40 = vector.shape_cast %mul3A_39 : vector<128xf32> to vector<1x128xf32>
    %get3A_41 = arith.constant 0 : index
    %get3A_42 = arith.constant 0 : index
    %get3A_43 = vector.load %arg7[%get3A_41, %get3A_42] : memref<128x128xf32, #tpu.memory_space<vmem>>, vector<128x128xf32>
    %dot_general3A_44 = arith.constant dense<0.000000e+00> : vector<1x128xf32>
    %dot_general3A_45 = tpu.matmul %broadcast_in_dim3A_40, %get3A_43, %dot_general3A_44 {dimension_numbers = #tpu.dot_dimension_numbers<[1], [0], [0], [1], [0, 0, 1, 1], [], []>, transpose_lhs_hint = false} : vector<1x128xf32>, vector<128x128xf32>, vector<1x128xf32> -> vector<1x128xf32>
    %dot_general3A_46 = arith.constant dense<0.000000e+00> : vector<2000x128xf32>
    %dot_general3A_47 = tpu.matmul %slice3A, %dot_general3A_36, %dot_general3A_46 {dimension_numbers = #tpu.dot_dimension_numbers<[1], [0], [0], [1], [0, 0, 1, 1], [], []>, transpose_lhs_hint = false} : vector<2000x64xf32>, vector<64x128xf32>, vector<2000x128xf32> -> vector<2000x128xf32>
    %mul3A_48 = vector.broadcast %slice3A_21 : vector<2000x1xf32> to vector<2000x128xf32>
    %mul3A_49 = vector.broadcast %dot_general3A_45 : vector<1x128xf32> to vector<2000x128xf32>
    %mul3A_50 = arith.mulf %mul3A_48, %mul3A_49 : vector<2000x128xf32>
    %add3A_51 = arith.addf %dot_general3A_47, %mul3A_50 : vector<2000x128xf32>
    %mul3A_52 = arith.constant 1.562500e-02 : f32
    %mul3A_53 = vector.broadcast %mul3A_52 : f32 to vector<2000x128xf32>
    %mul3A_54 = arith.mulf %add3A_51, %mul3A_53 : vector<2000x128xf32>
    %get3A_55 = arith.constant 0 : index
    %get3A_56 = vector.load %arg8[%get3A_55] : memref<128xf32, #tpu.memory_space<vmem>>, vector<128xf32>
    %broadcast_in_dim3A_57 = vector.shape_cast %get3A_56 : vector<128xf32> to vector<1x128xf32>
    %div3A = arith.constant 5.65685415 : f32
    %div3A_58 = vector.broadcast %div3A : f32 to vector<1x128xf32>
    %div3A_59 = arith.divf %broadcast_in_dim3A_57, %div3A_58 : vector<1x128xf32>
    %mul3A_60 = vector.broadcast %slice3A_22 : vector<2000x1xf32> to vector<2000x128xf32>
    %mul3A_61 = vector.broadcast %div3A_59 : vector<1x128xf32> to vector<2000x128xf32>
    %mul3A_62 = arith.mulf %mul3A_60, %mul3A_61 : vector<2000x128xf32>
    %add3A_63 = arith.addf %mul3A_54, %mul3A_62 : vector<2000x128xf32>
    %swap3A = arith.constant 0 : index
    %swap3A_64 = arith.constant 0 : index
    %swap3A_65 = vector.load %arg9[%swap3A, %swap3A_64] : memref<2000x128xf32, #tpu.memory_space<vmem>>, vector<2000x128xf32>
    tpu.vector_store %arg9[%swap3A, %swap3A_64], %add3A_63 {strides = array<i32>} : memref<2000x128xf32, #tpu.memory_space<vmem>>, vector<2000x128xf32>,
    return
  }
  func.func @transform_0(%arg0: i32) -> (i32, i32, i32) {
    %c0_i32 = arith.constant 0 : i32
    %c0_i32_0 = arith.constant 0 : i32
    %c0_i32_1 = arith.constant 0 : i32
    return %c0_i32, %arg0, %c0_i32_0 : i32, i32, i32
  }
  func.func @transform_1(%arg0: i32) -> (i32, i32, i32) {
    %c0_i32 = arith.constant 0 : i32
    %c0_i32_0 = arith.constant 0 : i32
    %c0_i32_1 = arith.constant 0 : i32
    return %c0_i32, %arg0, %c0_i32_0 : i32, i32, i32
  }
  func.func @transform_2(%arg0: i32) -> (i32, i32) {
    %c0_i32 = arith.constant 0 : i32
    %c0_i32_0 = arith.constant 0 : i32
    %c0_i32_1 = arith.constant 0 : i32
    return %c0_i32, %c0_i32_0 : i32, i32
  }
  func.func @transform_3(%arg0: i32) -> i32 {
    %c0_i32 = arith.constant 0 : i32
    %c0_i32_0 = arith.constant 0 : i32
    return %c0_i32 : i32
  }
  func.func @transform_4(%arg0: i32) -> (i32, i32) {
    %c0_i32 = arith.constant 0 : i32
    %c0_i32_0 = arith.constant 0 : i32
    %c0_i32_1 = arith.constant 0 : i32
    return %c0_i32, %c0_i32_0 : i32, i32
  }
  func.func @transform_5(%arg0: i32) -> i32 {
    %c0_i32 = arith.constant 0 : i32
    %c0_i32_0 = arith.constant 0 : i32
    return %c0_i32 : i32
  }
  func.func @transform_6(%arg0: i32) -> (i32, i32) {
    %c0_i32 = arith.constant 0 : i32
    %c0_i32_0 = arith.constant 0 : i32
    %c0_i32_1 = arith.constant 0 : i32
    return %c0_i32, %c0_i32_0 : i32, i32
  }
  func.func @transform_7(%arg0: i32) -> i32 {
    %c0_i32 = arith.constant 0 : i32
    %c0_i32_0 = arith.constant 0 : i32
    return %c0_i32 : i32
  }
  func.func @transform_8(%arg0: i32) -> (i32, i32) {
    %c0_i32 = arith.constant 0 : i32
    %c0_i32_0 = arith.constant 0 : i32
    return %arg0, %c0_i32 : i32, i32
  }
}

</mosaic_0001>

<sc_bundles>
// kernel: kernel.10.cloned.1.call-start
scs
__scs_entry_jumppad:
0x0: {  	(pc) =	sbr.rel $0x88, $3  }
0x1: {  	(tag) =	ssettag $0x0;
	lr =	simm.s32 $0x1  }
0x2: {  	[smem:$0x3F94] =	sst lr;
	_ =	strace $0xD0000000  }
0x3: {  	_ = 	snop  }
0x4: {  	_ = 	snop  }
0x5: {  	_ = 	snop  }
0x6: {  	_ = 	snop  }
0x7: {  	_ = 	snop  }
__scs_overlays_trampoline_lowered:
0x8: {  	[smem:$0x3FA3] =	sst s0  }
0x9: {  	[smem:$0x3FA4] =	sst s1  }
0xa: {  	[smem:$0x3FA5] =	sst s2  }
0xb: {  	[smem:$0x3FA6] =	sst s3  }
0xc: {  	[smem:$0x3FA7] =	sst s4  }
0xd: {  	[smem:$0x3FA8] =	sst s5  }
0xe: {  	[smem:$0x3FA9] =	sst s6  }
0xf: {  	[smem:$0x3FAA] =	sst s7  }
0x10: {  	[smem:$0x3FAB] =	sst s8  }
0x11: {  	[smem:$0x3FAC] =	sst s9;
	s0 =	simm.s32 @!p0 $0x0  }
0x12: {  	s1 =	sld [smem:$0x3F92];
	s0 =	simm.s32 @p0 $0x1  }
0x13: {  	[smem:$0x3FAD] =	sst s0;
	s0 =	simm.s32 @!p1 $0x0  }
0x14: {  	s2 =	sld [smem:$0x3F91];
	s0 =	simm.s32 @p1 $0x1  }
0x15: {  	[smem:$0x3FAE] =	sst s0;
	s0 =	simm.s32 @!p2 $0x0  }
0x16: {  	s3 =	sld [smem:$0x3FDB];
	s0 =	simm.s32 @p2 $0x1  }
0x17: {  	s4 =	simm.s32 $0x1BF5;
	[smem:$0x3FB0] =	sst s0  }
0x18: {  	s0 =	sld [smem:$0x3F93];
	_ =	swait.ge [sflag:s4], $0x0  }
0x19: {  	s7 =	sld [smem:$0x3F94]  }
0x1a: {  	s8 =	sadd.s32 $0xFFFFE003, lr  }
0x1b: {  	s9 =	sadd.s32 $0xFFFFFEF7, lr;
	s5 =	simm.s32 $0xFFFFFFFF;
	p2 =	slt.u32 s8, $0xFFFFF086  }
0x1c: {  	p1 =	slt.u32 s9, $0xF7A;
	s5 =	simm.s32 @!p2 $0x0  }
0x1d: {  	s5 =	simm.s32 @p1 $0x1;
	p0 =	seq.s32 s7, s2  }
0x1e: {  	s7 =	smul.u32 @!p0 $0xF7A, s2;
	p2 =	seq.s32 @!p0 s5, $0x0  }
0x1f: {  	s9 =	smul.u32 $0xF7A, s1;
	s8 =	simm.s32 @!p0 $0x1BF5;
	p2 =	por !p2, p0  }
0x20: {  	[sflag:s8] =	ssyncset.s32 @!p0 $0xFFFFF086;
	s6 =	sadd.s32 @!p0 s3, s7;
	s7 =	simm.s32 @!p0 $0x108  }
0x21: {  	s3 =	sadd.s32 s3, s9;
	s6 =	sadd.s32 @!p0 $0x88, s6;
	s7 =	simm.s32 @p2 $0x1082  }
0x22: {  	[simem:s7], [sflag:s8] =	dma.local @!p0 [hbm:s6], $0xF7A  }
0x23: {  	s9 =	sor.u32 $0xD0000000, s2;
	s6 =	simm.s32 $0x108;
	_ =	swait.ge @!p0 [sflag:s8], $0x0  }
0x24: {  	s3 =	sadd.s32 $0x88, s3;
	s6 =	simm.s32 @!p1 $0x1082;
	[sflag:s4] =	ssyncset.s32 $0xFFFFF086  }
0x25: {  	[simem:s6], [sflag:s4] =	dma.local [hbm:s3], $0xF7A  }
0x26: {  	[smem:$0x3F94] =	sst s1;
	(tag) =	ssettag s2;
	_ =	strace s9  }
0x27: {  	s1 =	sld [smem:$0x3FA4]  }
0x28: {  	s2 =	sld [smem:$0x3FA5]  }
0x29: {  	s4 =	sld [smem:$0x3FA7]  }
0x2a: {  	p0 =	seq.s32 s5, $0x0;
	s5 =	sld [smem:$0x3FA8]  }
0x2b: {  	s6 =	sld [smem:$0x3FA9]  }
0x2c: {  	s7 =	sld [smem:$0x3FAA]  }
0x2d: {  	s3 =	simm.s32 $0x108;
	s8 =	sld [smem:$0x3FAB]  }
0x2e: {  	s3 =	simm.s32 @!p0 $0x1082;
	s9 =	sld [smem:$0x3FAC]  }
0x2f: {  	lr =	sadd.s32 s0, s3;
	s0 =	sld [smem:$0x3FA3]  }
0x30: {  	s3 =	sld [smem:$0x3FA6]  }
0x31: {  	[smem:$0x3FAF] =	sst s10  }
0x32: {  	s10 =	sld [smem:$0x3FAD];
	_ =	sdelay $0x3  }
0x33: {  	p0 =	seq.s32 s10, $0x1;
	s10 =	sld [smem:$0x3FAF];
	_ =	sdelay $0x3  }
0x34: {  	[smem:$0x3FAF] =	sst s10  }
0x35: {  	s10 =	sld [smem:$0x3FAE];
	_ =	sdelay $0x3  }
0x36: {  	p1 =	seq.s32 s10, $0x1;
	s10 =	sld [smem:$0x3FAF];
	_ =	sdelay $0x3  }
0x37: {  	[smem:$0x3FAF] =	sst s10  }
0x38: {  	s10 =	sld [smem:$0x3FB0]  }
0x39: {  	_ = 	snop;
	(pc) =	sbr.ind lr, $3  }
0x3a: {  	_ = 	snop  }
0x3b: {  	_ = 	snop  }
0x3c: {  	p2 =	seq.s32 s10, $0x1;
	s10 =	sld [smem:$0x3FAF]  }
0x3d: {  	_ =	shalt  }
0x3e: {  	_ =	shalt  }
0x3f: {  	_ =	shalt  }
0x40: {  	_ =	shalt  }
0x41: {  	_ =	shalt  }
0x42: {  	_ =	shalt  }
0x43: {  	_ =	shalt  }
0x44: {  	_ =	shalt  }
0x45: {  	_ =	shalt  }
0x46: {  	_ =	shalt  }
0x47: {  	_ =	shalt  }
0x48: {  	_ =	shalt  }
0x49: {  	_ =	shalt  }
0x4a: {  	_ =	shalt  }
0x4b: {  	_ =	shalt  }
0x4c: {  	_ =	shalt  }
0x4d: {  	_ =	shalt  }
0x4e: {  	_ =	shalt  }
0x4f: {  	_ =	shalt  }
0x50: {  	_ =	shalt  }
0x51: {  	_ =	shalt  }
0x52: {  	_ =	shalt  }
0x53: {  	_ =	shalt  }
0x54: {  	_ =	shalt  }
0x55: {  	_ =	shalt  }
0x56: {  	_ =	shalt  }
0x57: {  	_ =	shalt  }
0x58: {  	_ =	shalt  }
0x59: {  	_ =	shalt  }
0x5a: {  	_ =	shalt  }
0x5b: {  	_ =	shalt  }
0x5c: {  	_ =	shalt  }
0x5d: {  	_ =	shalt  }
0x5e: {  	_ =	shalt  }
0x5f: {  	_ =	shalt  }
0x60: {  	_ =	shalt  }
0x61: {  	_ =	shalt  }
0x62: {  	_ =	shalt  }
0x63: {  	_ =	shalt  }
0x64: {  	_ =	shalt  }
0x65: {  	_ =	shalt  }
0x66: {  	_ =	shalt  }
0x67: {  	_ =	shalt  }
0x68: {  	_ =	shalt  }
0x69: {  	_ =	shalt  }
0x6a: {  	_ =	shalt  }
0x6b: {  	_ =	shalt  }
0x6c: {  	_ =	shalt  }
0x6d: {  	_ =	shalt  }
0x6e: {  	_ =	shalt  }
0x6f: {  	_ =	shalt  }
0x70: {  	_ =	shalt  }
0x71: {  	_ =	shalt  }
0x72: {  	_ =	shalt  }
0x73: {  	_ =	shalt  }
0x74: {  	_ =	shalt  }
0x75: {  	_ =	shalt  }
0x76: {  	_ =	shalt  }
0x77: {  	_ =	shalt  }
0x78: {  	_ =	shalt  }
0x79: {  	_ =	shalt  }
0x7a: {  	_ =	shalt  }
0x7b: {  	_ =	shalt  }
0x7c: {  	_ =	shalt  }
0x7d: {  	_ =	shalt  }
0x7e: {  	_ =	shalt  }
0x7f: {  	_ =	shalt  }
0x80: {  	_ =	shalt  }
0x81: {  	_ =	shalt  }
0x82: {  	_ =	shalt  }
0x83: {  	_ =	shalt  }
0x84: {  	_ =	shalt  }
0x85: {  	_ =	shalt  }
0x86: {  	_ =	shalt  }
0x87: {  	_ =	shalt  }
.Lfunc_end0:
.L_simem_size_0:
called_computation.1_lowered:
.L_overlay_start_0:
0x88: {  	s2 =	sld [smem:$0x3FD9]  }
0x89: {  	s3 =	sld [smem:$0x3FFE];
	_ =	sdelay $0x1  }
0x8a: {  	s1 =	srdreg.scid  }
0x8b: {  	s0 =	sand.u32 $0x1, s1  }
0x8c: {  	s17 =	sshll.u32 s0, $0xA;
	s2 =	sadd.s32 s3, s2  }
0x8d: {  	s2 =	sadd.s32 s2, s17  }
0x8e: {  	[smem:$0x3FBB] =	sst s2  }
0x8f: {  	_ = 	snop  }
0x90: {  	s2 =	sld [smem:$0x3FC7]  }
0x91: {  	s18 =	sld [smem:$0x3FD0];
	(tm) =	ssettm $0x1  }
0x92: {  	s4 =	sld [smem:$0x3FFB];
	_ =	sdelay $0x3  }
0x93: {  	_ =	strace s4  }
0x94: {  	s4 =	sld [smem:$0x3FFC];
	_ =	sdelay $0x3  }
0x95: {  	_ =	strace s4  }
0x96: {  	s4 =	sld [smem:$0x3FFD];
	_ =	sdelay $0x3  }
0x97: {  	_ =	strace s4  }
0x98: {  	_ =	strace $0x8FFFFFFF  }
0x99: {  	s19 =	sld [smem:$0x3FDB];
	_ =	sdelay $0x1  }
0x9a: {  	s5 =	simm.s32 $_scs_section_size  }
0x9b: {  	s6 =	simm.s32 $_size__tile_overlayer_lowered;
	s7 =	simm.s32 $_tile_overlayer_lowered  }
0x9c: {  	s22 =	simm.s32 $0x1BFF;
	s21 =	sshll.u32 s7, $0x1;
	s4 =	sadd.s32 s5, s19  }
0x9d: {  	s8 =	simm.s32 $0x0;
	s20 =	sshll.u32 s6, $0x1;
	s6 =	sadd.s32 s21, s4  }
0x9e: {  	[timem:s8], [sflag:s22] =	dma.local [hbm:s6], s20  }
0x9f: {  	_ =	swait.ge [sflag:s22], s20  }
0xa0: {  	s5 =	ssub.s32 $0x0, s20;
	[sflag:s22] =	ssyncset.done $0x0  }
0xa1: {  	[sflag:s22] =	ssyncadd.s32 s5;
	_ =	sdelay $0x1  }
0xa2: {  	s23 =	simm.s32 $0x1B8B  }
0xa3: {  	_ =	swait.ge [sflag:s23], $0x1  }
0xa4: {  	[sflag:s23] =	ssyncset.done $0x0  }
0xa5: {  	s25 =	simm.s32 $0x1B8E;
	s24 =	sld [smem:$0x3FFE];
	[sflag:s23] =	ssyncadd.s32 $0xFFFFFFFF  }
0xa6: {  	s26 =	simm.s32 $execute0_lowered;
	[smem:$0x3FD2] =	sst s25  }
0xa7: {  	s6 =	sshll.u32 s26, $0x1;
	_ =	strace $0x80000046;
	[dreg:$0x1] =	wrdreg $0xFFFFFFFF  }
0xa8: {  	s28 =	simm.s32 $_size_execute0_lowered;
	s4 =	sadd.s32 s4, s6;
	[dreg:$0x0] =	wrdreg $0x0  }
0xa9: {  	s6 =	sshll.u32 s28, $0x1;
	[dreg:$0x2] =	wrdreg s4  }
0xaa: {  	[dreg:$0x3] =	wrdreg s6  }
0xab: {  	[dreg:$0x4] =	wrdreg $0xC0  }
0xac: {  	_ =	task [dreg:s8], $0x5FFFF  }
0xad: {  	[dreg:$0x1] =	wrdreg $0xFFFFFFFF  }
0xae: {  	[dreg:$0x0] =	wrdreg $0x60  }
0xaf: {  	[dreg:$0x2] =	wrdreg s24  }
0xb0: {  	[dreg:$0x3] =	wrdreg s2  }
0xb1: {  	[dreg:$0x4] =	wrdreg s18  }
0xb2: {  	[dreg:$0x5] =	wrdreg $0x85800  }
0xb3: {  	[dreg:$0x6] =	wrdreg $0xA  }
0xb4: {  	_ =	task.clear_ibuf [dreg:s8], $0x7FFFF;
	_ =	strace $0x90000046  }
0xb5: {  	s29 =	simm.s32 $0xA;
	_ =	strace $0x80000048  }
0xb6: {  	_ =	swait.ge [sflag:s29], $0x1  }
0xb7: {  	[sflag:s29] =	ssyncadd.s32 $0xFFFFFFFF  }
0xb8: {  	_ =	strace $0x90000048  }
0xb9: {  	_ =	sfence  }
0xba: {  	s30 =	sld [smem:$0x0];
	_ =	sdelay $0x2  }
0xbb: {  	s31 =	sshll.u32 s1, $0xD;
	s1 =	sshrl.u32 s1, $0x2  }
0xbc: {  	s3 =	sand.u32 $0x4000, s31;
	s1 =	sadd.s32 s1, s30  }
0xbd: {  	s0 =	sor.u32 s3, s0;
	s1 =	sshll.u32 s1, $0x11  }
0xbe: {  	s0 =	sor.u32 s1, s0  }
0xbf: {  	s0 =	sadd.s32 $0x8F2B, s0  }
0xc0: {  	[sflag:s0] =	ssyncadd.remote.s32 $0x1  }
0xc1: {  	_ =	sfence.sel $0xFFFF  }
0xc2: {  	[dreg:$0x0] =	wrdreg $0xFFFFFFFF;
	(pc) =	sbr.abs _section_cstart, $3  }
0xc3: {  	[dreg:$0x1] =	wrdreg $0xFFFFFFFF  }
0xc4: {  	_ =	task.clear_ibuf [dreg:s8], $0x2FFFF;
	_ =	strace $0x9FFFFFFF  }
0xc5: {  	(tm) =	ssettm $0x7FFFFFFF  }
tec
execute0_lowered:
.L_overlay_start_1:
0x0: {  	(tag) =	ssettag $0x1  }
0x1: {  	s0 =	rddreg [dreg:$0x0];
	s10 =	stileid.u32  }
0x2: {  	s13 =	rddreg [dreg:$0x1];
	s5 =	smul.u32 $0x13C00, s10  }
0x3: {  	s1 =	srdreg.scid;
	s6 =	smul.u32 $0x4F000, s10  }
0x4: {  	s3 =	rddreg [dreg:$0x3];
	s4 =	simm.s32 $0x0;
	s9 =	smul.u32 $0x9C400, s10  }
0x5: {  	s28 =	simm.s32 $0x8100;
	s1 =	sand.u32 $0x1, s1;
	s14 =	smul.u32 $0x1388, s10  }
0x6: {  	s29 =	simm.s32 $0x8500;
	s31 =	simm.s32 $0x0;
	s2 =	smul.u32 $0x13C000, s1  }
0x7: {  	[smem:$0x7FF] =	sst s4;
	s19 =	sshll.u32 s10, $0x6;
	s8 =	smul.u32 $0x9C4000, s1  }
0x8: {  	_ =	strace $0x80000047;
	s18 =	ssub.s32 $0x2, s1;
	s1 =	smul.u32 $0x27100, s1  }
0x9: {  	s7 =	sshrl.u32 s18, $0x1;
	s6 =	sshrl.u32 s6, $0x2;
	s21 =	sadd.s32 $0x1380, s14  }
0xa: {  	s2 =	sadd.s32 s5, s2;
	s5 =	sadd.s32 $0x1C00, s0;
	s15 =	sadd.s32 s6, s3  }
0xb: {  	s16 =	sadd.s32 s9, s8;
	s6 =	sor.u32 $0x1C05, s19;
	s22 =	sadd.s32 $0x13880, s1  }
0xc: {  	s11 =	sshll.u32 s21, $0x7;
	s25 =	sadd.s32 s14, s1;
	s19 =	simm.s32 $0x8000  }
0xd: {  	s2 =	sshrl.u32 s2, $0x3;
	s20 =	sshrl.u32 s16, $0x3;
	s12 =	sadd.s32 s14, s22  }
0xe: {  	s8 =	sadd.s32 s8, s11;
	s9 =	sadd.s32 s21, s22;
	s1 =	sadd.s32 $0x8000, s16  }
0xf: {  	s26 =	sadd.s32 $0x13980, s25;
	s30 =	sadd.s32 $0x4000, s16;
	s17 =	sshrl.u32 s15, $0x3  }
0x10: {  	s21 =	simm.s32 $0x8080;
	s22 =	simm.s32 $0x1;
	s0 =	sadd.s32 s2, s0  }
0x11: {  	s2 =	ssub.s32 s18, s7;
	s7 =	sadd.s32 s5, s20;
	s23 =	sshrl.u32 s12, $0x3  }
0x12: {  	s11 =	sshrl.u32 s8, $0x3;
	s24 =	sshrl.u32 s9, $0x3;
	s16 =	sshrl.u32 s30, $0x3  }
0x13: {  	s18 =	simm.s32 $0x5;
	s20 =	simm.s32 $0x4000;
	[dreg:$0x5] =	wrdreg s7  }
0x14: {  	s8 =	sadd.s32 s13, s23;
	s9 =	sadd.s32 s5, s11;
	s10 =	sadd.s32 s13, s24  }
0x15: {  	s11 =	sadd.s32 $0x272C00, s0;
	s12 =	smax.u32 s2, $0x1;
	s2 =	sshrl.u32 s26, $0x3  }
0x16: {  	s0 =	sadd.s32 $0x13900, s25;
	s23 =	simm.s32 $0x3;
	s24 =	simm.s32 $0x80  }
0x17: {  	s25 =	simm.s32 $0x2;
	s26 =	simm.s32 $0x4;
	s0 =	sshrl.u32 s0, $0x3  }
0x18: {  	s14 =	sadd.s32 s2, s13;
	s2 =	sadd.s32 s16, s5;
	s16 =	sadd.s32 s0, s13  }
.LBB2_1:
0x19: {  	s0 =	rddreg [dreg:$0x2]  }
0x1a: {  	[spmem:s17], [sflag:s6] =	dma.local [hbm:s0], $0x2780  }
0x1b: {  	_ =	swait.ge [sflag:s18], $0x2780  }
0x1c: {  	[sflag:s18] =	ssyncset.done $0x0  }
0x1d: {  	[sflag:s18] =	ssyncadd.s32 $0xFFFFD880  }
0x1e: {  	[bflag:$0x0] =	sbarrier.arrive $0xFFFF  }
0x1f: {  	s7 =	rddreg [dreg:$0x5]  }
0x20: {  	[tilespmem:s4], [sflag:$0x1] =	stream.linear.gather [hbm4b:s7+s4], $0x4000, $0x38;
	[tilespmem:$0x1C180] =	vst v63  }
0x21: {  	_ = 	snop  }
0x22: {  	[tilespmem:s19], [sflag:$0x3] =	stream.linear.gather [hbm4b:s8+s4], $0x80, $0x38;
	[tilespmem:$0x1C180] =	vst v63  }
0x23: {  	_ = 	snop  }
0x24: {  	[tilespmem:s20], [sflag:$0x2] =	stream.linear.gather [hbm4b:s2+s4], $0x4000, $0x38;
	[tilespmem:$0x1C180] =	vst v63  }
0x25: {  	s13 =	sadd.s32 $0x0, s16  }
0x26: {  	[tilespmem:s21], [sflag:$0x4] =	stream.linear.gather [hbm4b:s13+s4], $0x80, $0x38;
	[tilespmem:$0x1C180] =	vst v63  }
0x27: {  	_ =	swait.ge [sflag:s22], $0x4000  }
0x28: {  	[sflag:s22] =	ssyncset.done $0x0  }
0x29: {  	[sflag:s22] =	ssyncadd.s32 $0xFFFFC000  }
0x2a: {  	_ =	swait.ge [sflag:s23], $0x80  }
0x2b: {  	[sflag:s23] =	ssyncset.done $0x0  }
0x2c: {  	[sflag:s23] =	ssyncadd.s32 $0xFFFFFF80  }
0x2d: {  	[spmem:s3] =	stream.indirect.scatter.add.f32 [tilespmem:s4], [sflag:$0x5], $0x80, s19, s24, $0xb8;
	[tilespmem:$0x1C180] =	vst v63  }
0x2e: {  	_ =	swait.ge [sflag:s18], $0x4000  }
0x2f: {  	s15 =	sshrl.u32 s1, $0x3;
	[sflag:s18] =	ssyncset.done $0x0  }
0x30: {  	s0 =	sadd.s32 s5, s15;
	[sflag:s18] =	ssyncadd.s32 $0xFFFFC000  }
0x31: {  	[tilespmem:s4], [sflag:$0x1] =	stream.linear.gather [hbm4b:s0+s4], $0x4000, $0x38;
	[tilespmem:$0x1C180] =	vst v63  }
0x32: {  	s30 =	sadd.s32 $0x0, s14  }
0x33: {  	[tilespmem:s19], [sflag:$0x3] =	stream.linear.gather [hbm4b:s30+s4], $0x80, $0x38;
	[tilespmem:$0x1C180] =	vst v63  }
0x34: {  	_ =	swait.ge [sflag:s25], $0x4000  }
0x35: {  	[sflag:s25] =	ssyncset.done $0x0  }
0x36: {  	[sflag:s25] =	ssyncadd.s32 $0xFFFFC000  }
0x37: {  	_ =	swait.ge [sflag:s26], $0x80  }
0x38: {  	[sflag:s26] =	ssyncset.done $0x0  }
0x39: {  	[sflag:s26] =	ssyncadd.s32 $0xFFFFFF80  }
0x3a: {  	[spmem:s3] =	stream.indirect.scatter.add.f32 [tilespmem:s20], [sflag:$0x5], $0x80, s21, s24, $0xb8;
	[tilespmem:$0x1C180] =	vst v63  }
0x3b: {  	s15 =	smov.u32 s2;
	_ =	swait.ge [sflag:s18], $0x4000  }
0x3c: {  	s13 =	smov.u32 s1;
	s0 =	simm.s32 $0x20;
	[sflag:s18] =	ssyncset.done $0x0  }
.LBB2_2:
0x3d: {  	[sflag:s18] =	ssyncadd.s32 $0xFFFFC000  }
0x3e: {  	s13 =	sadd.s32 $0x8000, s13;
	s15 =	sadd.s32 $0x1000, s15;
	s30 =	smov.u32 s0  }
0x3f: {  	[tilespmem:s20], [sflag:$0x2] =	stream.linear.gather [hbm4b:s15+s4], $0x4000, $0x38;
	[tilespmem:$0x1C180] =	vst v63  }
0x40: {  	p0 =	sne.s32 s0, $0x240;
	s0 =	sadd.s32 $0x20, s0;
	s7 =	sadd.s32 s30, s16  }
0x41: {  	[tilespmem:s21], [sflag:$0x4] =	stream.linear.gather [hbm4b:s7+s4], $0x80, $0x38;
	[tilespmem:$0x1C180] =	vst v63  }
0x42: {  	_ =	swait.ge [sflag:s22], $0x4000  }
0x43: {  	[sflag:s22] =	ssyncset.done $0x0  }
0x44: {  	[sflag:s22] =	ssyncadd.s32 $0xFFFFC000  }
0x45: {  	_ =	swait.ge [sflag:s23], $0x80  }
0x46: {  	[sflag:s23] =	ssyncset.done $0x0  }
0x47: {  	[sflag:s23] =	ssyncadd.s32 $0xFFFFFF80  }
0x48: {  	[spmem:s3] =	stream.indirect.scatter.add.f32 [tilespmem:s4], [sflag:$0x5], $0x80, s19, s24, $0xb8;
	[tilespmem:$0x1C180] =	vst v63  }
0x49: {  	_ =	swait.ge [sflag:s18], $0x4000  }
0x4a: {  	s7 =	sshrl.u32 s13, $0x3;
	[sflag:s18] =	ssyncset.done $0x0  }
0x4b: {  	s7 =	sadd.s32 s5, s7;
	[sflag:s18] =	ssyncadd.s32 $0xFFFFC000  }
0x4c: {  	[tilespmem:s4], [sflag:$0x1] =	stream.linear.gather [hbm4b:s7+s4], $0x4000, $0x38;
	[tilespmem:$0x1C180] =	vst v63  }
0x4d: {  	s7 =	sadd.s32 s30, s14  }
0x4e: {  	[tilespmem:s19], [sflag:$0x3] =	stream.linear.gather [hbm4b:s7+s4], $0x80, $0x38;
	[tilespmem:$0x1C180] =	vst v63  }
0x4f: {  	_ =	swait.ge [sflag:s25], $0x4000  }
0x50: {  	[sflag:s25] =	ssyncset.done $0x0  }
0x51: {  	[sflag:s25] =	ssyncadd.s32 $0xFFFFC000  }
0x52: {  	_ =	swait.ge [sflag:s26], $0x80  }
.Ltmp0:
0x53: {  	[sflag:s26] =	ssyncset.done $0x0;
	(pc) =	sbr.rel @p0 .LBB2_2-.Ltmp0, $4  }
0x54: {  	[sflag:s26] =	ssyncadd.s32 $0xFFFFFF80  }
0x55: {  	[spmem:s3] =	stream.indirect.scatter.add.f32 [tilespmem:s20], [sflag:$0x5], $0x80, s21, s24, $0xb8;
	[tilespmem:$0x1C180] =	vst v63  }
0x56: {  	_ =	swait.ge [sflag:s18], $0x4000  }
0x57: {  	[sflag:s18] =	ssyncset.done $0x0  }
0x58: {  	[sflag:s18] =	ssyncadd.s32 $0xFFFFC000  }
0x59: {  	_ =	swait.ge [sflag:s22], $0x4000  }
0x5a: {  	[sflag:s22] =	ssyncset.done $0x0  }
0x5b: {  	[sflag:s22] =	ssyncadd.s32 $0xFFFFC000  }
0x5c: {  	_ =	swait.ge [sflag:s23], $0x80  }
0x5d: {  	[sflag:s23] =	ssyncset.done $0x0  }
0x5e: {  	[sflag:s23] =	ssyncadd.s32 $0xFFFFFF80  }
0x5f: {  	[spmem:s3] =	stream.indirect.scatter.add.f32 [tilespmem:s4], [sflag:$0x5], $0x80, s19, s24, $0xb8;
	[tilespmem:$0x1C180] =	vst v63  }
0x60: {  	_ =	swait.ge [sflag:s18], $0x4000  }
0x61: {  	[sflag:s18] =	ssyncset.done $0x0  }
0x62: {  	[sflag:s18] =	ssyncadd.s32 $0xFFFFC000  }
0x63: {  	[tilespmem:s28], [sflag:$0x5] =	stream.linear.gather [hbm4b:s9+s4], $0x400, $0x38;
	[tilespmem:$0x1C180] =	vst v63  }
0x64: {  	_ =	swait.ge [sflag:s18], $0x400  }
0x65: {  	[sflag:s18] =	ssyncset.done $0x0  }
0x66: {  	[sflag:s18] =	ssyncadd.s32 $0xFFFFFC00  }
0x67: {  	[tilespmem:s29], [sflag:$0x5] =	stream.linear.gather [hbm4b:s10+s4], $0x8, $0x38;
	[tilespmem:$0x1C180] =	vst v63  }
0x68: {  	_ =	swait.ge [sflag:s18], $0x8  }
0x69: {  	[sflag:s18] =	ssyncset.done $0x0  }
0x6a: {  	s0 =	simm.s32 $0x8;
	[sflag:s18] =	ssyncadd.s32 $0xFFFFFFF8  }
0x6b: {  	[spmem:s3] =	stream.indirect.scatter.add.f32 [tilespmem:s28], [sflag:$0x5], $0x80, s29, s0, $0xb8;
	[tilespmem:$0x1C180] =	vst v63  }
0x6c: {  	_ =	swait.ge [sflag:s18], $0x400  }
0x6d: {  	s31 =	sadd.s32 $0x1, s31;
	[sflag:s18] =	ssyncset.done $0x0  }
0x6e: {  	p0 =	sne.s32 s31, s12;
	[sflag:s18] =	ssyncadd.s32 $0xFFFFFC00  }
.Ltmp1:
0x6f: {  	[bflag:$0x0] =	sbarrier.arrive $0xFFFF;
	(pc) =	sbr.rel @p0 .LBB2_1-.Ltmp1, $4  }
0x70: {  	[hbm:s11], [sflag:s6] =	dma.local [spmem:s17], $0x2780  }
0x71: {  	_ =	swait.ge [sflag:s18], $0x2780  }
0x72: {  	[sflag:s18] =	ssyncset.done $0x0  }
0x73: {  	[sflag:s18] =	ssyncadd.s32 $0xFFFFD880  }
0x74: {  	_ =	sfence.sel $0x180000  }
0x75: {  	[bflag:$0x0] =	sbarrier.arrive $0xFFFF  }
0x76: {  	_ =	strace $0x90000047  }
0x77: {  	s0 =	stileid.u32;
	[bflag:$0x2] =	sbarrier.arrive $0xFFFF  }
0x78: {  	p0 =	sne.s32 s0, $0x0;
	s0 =	rddreg [dreg:$0x4]  }
0x79: {  	s0 =	sadd.s32 @!p0 $0x100000, s0  }
0x7a: {  	[sflag:s0] =	ssyncadd.tile.s32 @!p0 $0x1;
	_ =	shalt  }
.Lfunc_end2:
_tile_overlayer_lowered:
.L_overlay_start_2:
0x7b: {  	(tag) =	ssettag $0x2  }
0x7c: {  	s0 =	rddreg [dreg:$0x0];
	s2 =	stileid.u32  }
0x7d: {  	s1 =	rddreg [dreg:$0x1];
	p0 =	sne.s32 s2, $0x0  }
0x7e: {  	s3 =	rddreg [dreg:$0x2];
	[bflag:$0x3] =	sbarrier.arrive $0xFFFF;
	s2 =	simm.s32 @!p0 $0x1C05  }
0x7f: {  	[timem:s3], [sflag:s2] =	dma.local @!p0 [hbm:s0], s1  }
0x80: {  	s0 =	simm.s32 @!p0 $0x5  }
0x81: {  	_ =	swait.ge @!p0 [sflag:s0], s1  }
0x82: {  	s1 =	ssub.s32 @!p0 $0x0, s1;
	[sflag:s0] =	ssyncset.done @!p0 $0x0  }
0x83: {  	[sflag:s0] =	ssyncadd.s32 @!p0 s1  }
0x84: {  	[bflag:$0x3] =	sbarrier.arrive $0xFFFF  }
0x85: {  	_ =	shalt  }

// kernel: kernel.7.cloned.1.call-start
scs
__scs_entry_jumppad:
0x0: {  	(pc) =	sbr.rel $0x88, $3  }
0x1: {  	(tag) =	ssettag $0x0;
	lr =	simm.s32 $0x1  }
0x2: {  	[smem:$0x3F94] =	sst lr;
	_ =	strace $0xD0000000  }
0x3: {  	_ = 	snop  }
0x4: {  	_ = 	snop  }
0x5: {  	_ = 	snop  }
0x6: {  	_ = 	snop  }
0x7: {  	_ = 	snop  }
__scs_overlays_trampoline_lowered:
0x8: {  	[smem:$0x3FA3] =	sst s0  }
0x9: {  	[smem:$0x3FA4] =	sst s1  }
0xa: {  	[smem:$0x3FA5] =	sst s2  }
0xb: {  	[smem:$0x3FA6] =	sst s3  }
0xc: {  	[smem:$0x3FA7] =	sst s4  }
0xd: {  	[smem:$0x3FA8] =	sst s5  }
0xe: {  	[smem:$0x3FA9] =	sst s6  }
0xf: {  	[smem:$0x3FAA] =	sst s7  }
0x10: {  	[smem:$0x3FAB] =	sst s8  }
0x11: {  	[smem:$0x3FAC] =	sst s9;
	s0 =	simm.s32 @!p0 $0x0  }
0x12: {  	s1 =	sld [smem:$0x3F92];
	s0 =	simm.s32 @p0 $0x1  }
0x13: {  	[smem:$0x3FAD] =	sst s0;
	s0 =	simm.s32 @!p1 $0x0  }
0x14: {  	s2 =	sld [smem:$0x3F91];
	s0 =	simm.s32 @p1 $0x1  }
0x15: {  	[smem:$0x3FAE] =	sst s0;
	s0 =	simm.s32 @!p2 $0x0  }
0x16: {  	s3 =	sld [smem:$0x3FDB];
	s0 =	simm.s32 @p2 $0x1  }
0x17: {  	s4 =	simm.s32 $0x1BF5;
	[smem:$0x3FB0] =	sst s0  }
0x18: {  	s0 =	sld [smem:$0x3F93];
	_ =	swait.ge [sflag:s4], $0x0  }
0x19: {  	s7 =	sld [smem:$0x3F94]  }
0x1a: {  	s8 =	sadd.s32 $0xFFFFE003, lr  }
0x1b: {  	s9 =	sadd.s32 $0xFFFFFEF7, lr;
	s5 =	simm.s32 $0xFFFFFFFF;
	p2 =	slt.u32 s8, $0xFFFFF086  }
0x1c: {  	p1 =	slt.u32 s9, $0xF7A;
	s5 =	simm.s32 @!p2 $0x0  }
0x1d: {  	s5 =	simm.s32 @p1 $0x1;
	p0 =	seq.s32 s7, s2  }
0x1e: {  	s7 =	smul.u32 @!p0 $0xF7A, s2;
	p2 =	seq.s32 @!p0 s5, $0x0  }
0x1f: {  	s9 =	smul.u32 $0xF7A, s1;
	s8 =	simm.s32 @!p0 $0x1BF5;
	p2 =	por !p2, p0  }
0x20: {  	[sflag:s8] =	ssyncset.s32 @!p0 $0xFFFFF086;
	s6 =	sadd.s32 @!p0 s3, s7;
	s7 =	simm.s32 @!p0 $0x108  }
0x21: {  	s3 =	sadd.s32 s3, s9;
	s6 =	sadd.s32 @!p0 $0x88, s6;
	s7 =	simm.s32 @p2 $0x1082  }
0x22: {  	[simem:s7], [sflag:s8] =	dma.local @!p0 [hbm:s6], $0xF7A  }
0x23: {  	s9 =	sor.u32 $0xD0000000, s2;
	s6 =	simm.s32 $0x108;
	_ =	swait.ge @!p0 [sflag:s8], $0x0  }
0x24: {  	s3 =	sadd.s32 $0x88, s3;
	s6 =	simm.s32 @!p1 $0x1082;
	[sflag:s4] =	ssyncset.s32 $0xFFFFF086  }
0x25: {  	[simem:s6], [sflag:s4] =	dma.local [hbm:s3], $0xF7A  }
0x26: {  	[smem:$0x3F94] =	sst s1;
	(tag) =	ssettag s2;
	_ =	strace s9  }
0x27: {  	s1 =	sld [smem:$0x3FA4]  }
0x28: {  	s2 =	sld [smem:$0x3FA5]  }
0x29: {  	s4 =	sld [smem:$0x3FA7]  }
0x2a: {  	p0 =	seq.s32 s5, $0x0;
	s5 =	sld [smem:$0x3FA8]  }
0x2b: {  	s6 =	sld [smem:$0x3FA9]  }
0x2c: {  	s7 =	sld [smem:$0x3FAA]  }
0x2d: {  	s3 =	simm.s32 $0x108;
	s8 =	sld [smem:$0x3FAB]  }
0x2e: {  	s3 =	simm.s32 @!p0 $0x1082;
	s9 =	sld [smem:$0x3FAC]  }
0x2f: {  	lr =	sadd.s32 s0, s3;
	s0 =	sld [smem:$0x3FA3]  }
0x30: {  	s3 =	sld [smem:$0x3FA6]  }
0x31: {  	[smem:$0x3FAF] =	sst s10  }
0x32: {  	s10 =	sld [smem:$0x3FAD];
	_ =	sdelay $0x3  }
0x33: {  	p0 =	seq.s32 s10, $0x1;
	s10 =	sld [smem:$0x3FAF];
	_ =	sdelay $0x3  }
0x34: {  	[smem:$0x3FAF] =	sst s10  }
0x35: {  	s10 =	sld [smem:$0x3FAE];
	_ =	sdelay $0x3  }
0x36: {  	p1 =	seq.s32 s10, $0x1;
	s10 =	sld [smem:$0x3FAF];
	_ =	sdelay $0x3  }
0x37: {  	[smem:$0x3FAF] =	sst s10  }
0x38: {  	s10 =	sld [smem:$0x3FB0]  }
0x39: {  	_ = 	snop;
	(pc) =	sbr.ind lr, $3  }
0x3a: {  	_ = 	snop  }
0x3b: {  	_ = 	snop  }
0x3c: {  	p2 =	seq.s32 s10, $0x1;
	s10 =	sld [smem:$0x3FAF]  }
0x3d: {  	_ =	shalt  }
0x3e: {  	_ =	shalt  }
0x3f: {  	_ =	shalt  }
0x40: {  	_ =	shalt  }
0x41: {  	_ =	shalt  }
0x42: {  	_ =	shalt  }
0x43: {  	_ =	shalt  }
0x44: {  	_ =	shalt  }
0x45: {  	_ =	shalt  }
0x46: {  	_ =	shalt  }
0x47: {  	_ =	shalt  }
0x48: {  	_ =	shalt  }
0x49: {  	_ =	shalt  }
0x4a: {  	_ =	shalt  }
0x4b: {  	_ =	shalt  }
0x4c: {  	_ =	shalt  }
0x4d: {  	_ =	shalt  }
0x4e: {  	_ =	shalt  }
0x4f: {  	_ =	shalt  }
0x50: {  	_ =	shalt  }
0x51: {  	_ =	shalt  }
0x52: {  	_ =	shalt  }
0x53: {  	_ =	shalt  }
0x54: {  	_ =	shalt  }
0x55: {  	_ =	shalt  }
0x56: {  	_ =	shalt  }
0x57: {  	_ =	shalt  }
0x58: {  	_ =	shalt  }
0x59: {  	_ =	shalt  }
0x5a: {  	_ =	shalt  }
0x5b: {  	_ =	shalt  }
0x5c: {  	_ =	shalt  }
0x5d: {  	_ =	shalt  }
0x5e: {  	_ =	shalt  }
0x5f: {  	_ =	shalt  }
0x60: {  	_ =	shalt  }
0x61: {  	_ =	shalt  }
0x62: {  	_ =	shalt  }
0x63: {  	_ =	shalt  }
0x64: {  	_ =	shalt  }
0x65: {  	_ =	shalt  }
0x66: {  	_ =	shalt  }
0x67: {  	_ =	shalt  }
0x68: {  	_ =	shalt  }
0x69: {  	_ =	shalt  }
0x6a: {  	_ =	shalt  }
0x6b: {  	_ =	shalt  }
0x6c: {  	_ =	shalt  }
0x6d: {  	_ =	shalt  }
0x6e: {  	_ =	shalt  }
0x6f: {  	_ =	shalt  }
0x70: {  	_ =	shalt  }
0x71: {  	_ =	shalt  }
0x72: {  	_ =	shalt  }
0x73: {  	_ =	shalt  }
0x74: {  	_ =	shalt  }
0x75: {  	_ =	shalt  }
0x76: {  	_ =	shalt  }
0x77: {  	_ =	shalt  }
0x78: {  	_ =	shalt  }
0x79: {  	_ =	shalt  }
0x7a: {  	_ =	shalt  }
0x7b: {  	_ =	shalt  }
0x7c: {  	_ =	shalt  }
0x7d: {  	_ =	shalt  }
0x7e: {  	_ =	shalt  }
0x7f: {  	_ =	shalt  }
0x80: {  	_ =	shalt  }
0x81: {  	_ =	shalt  }
0x82: {  	_ =	shalt  }
0x83: {  	_ =	shalt  }
0x84: {  	_ =	shalt  }
0x85: {  	_ =	shalt  }
0x86: {  	_ =	shalt  }
0x87: {  	_ =	shalt  }
.Lfunc_end0:
.L_simem_size_0:
called_computation_lowered:
.L_overlay_start_0:
0x88: {  	s2 =	sld [smem:$0x3FD9]  }
0x89: {  	s3 =	sld [smem:$0x3FFE];
	_ =	sdelay $0x1  }
0x8a: {  	s1 =	srdreg.scid  }
0x8b: {  	s0 =	sand.u32 $0x1, s1  }
0x8c: {  	s17 =	sshll.u32 s0, $0xA;
	s2 =	sadd.s32 s3, s2  }
0x8d: {  	s2 =	sadd.s32 s2, s17  }
0x8e: {  	[smem:$0x3FBB] =	sst s2  }
0x8f: {  	_ = 	snop  }
0x90: {  	s18 =	sld [smem:$0x3FC7]  }
0x91: {  	s4 =	sld [smem:$0x3FD0];
	(tm) =	ssettm $0x1  }
0x92: {  	s19 =	sld [smem:$0x3FFB];
	_ =	sdelay $0x3  }
0x93: {  	_ =	strace s19  }
0x94: {  	s2 =	sld [smem:$0x3FFC];
	_ =	sdelay $0x3  }
0x95: {  	_ =	strace s2  }
0x96: {  	s2 =	sld [smem:$0x3FFD];
	_ =	sdelay $0x3  }
0x97: {  	_ =	strace s2  }
0x98: {  	_ =	strace $0x8FFFFFFF  }
0x99: {  	s20 =	sld [smem:$0x3FDB];
	_ =	sdelay $0x1  }
0x9a: {  	s5 =	simm.s32 $_scs_section_size  }
0x9b: {  	s6 =	simm.s32 $_size__tile_overlayer_lowered;
	s7 =	simm.s32 $_tile_overlayer_lowered  }
0x9c: {  	s8 =	simm.s32 $0x1BFF;
	s21 =	sshll.u32 s7, $0x1;
	s5 =	sadd.s32 s5, s20  }
0x9d: {  	s22 =	simm.s32 $0x0;
	s6 =	sshll.u32 s6, $0x1;
	s7 =	sadd.s32 s21, s5  }
0x9e: {  	[timem:s22], [sflag:s8] =	dma.local [hbm:s7], s6  }
0x9f: {  	_ =	swait.ge [sflag:s8], s6  }
0xa0: {  	s6 =	ssub.s32 $0x0, s6;
	[sflag:s8] =	ssyncset.done $0x0  }
0xa1: {  	[sflag:s8] =	ssyncadd.s32 s6;
	_ =	sdelay $0x1  }
0xa2: {  	s23 =	simm.s32 $0x1B8B  }
0xa3: {  	_ =	swait.ge [sflag:s23], $0x1  }
0xa4: {  	[sflag:s23] =	ssyncset.done $0x0  }
0xa5: {  	[sflag:s23] =	ssyncadd.s32 $0xFFFFFFFF  }
0xa6: {  	s6 =	sld [smem:$0x0]  }
0xa7: {  	s7 =	sand.u32 $0xFFFFFFFE, s1  }
0xa8: {  	p0 =	sne.s32 s1, s7  }
0xa9: {  	s7 =	sshll.u32 @p0 s7, $0xE  }
0xaa: {  	s7 =	sadd.s32 @p0 $0x11B8D, s7;
	s8 =	sshll.u32 @p0 s6, $0x11  }
0xab: {  	s7 =	sor.u32 @p0 s8, s7  }
0xac: {  	[sflag:s7] =	ssyncadd.remote.s32 @p0 $0x1;
	_ =	sdelay $0x1  }
0xad: {  	s7 =	simm.s32 @p0 $0x1B8D  }
0xae: {  	_ =	swait.eq @p0 [sflag:s7], $0x1  }
0xaf: {  	[sflag:s7] =	ssyncadd.s32 @p0 $0xFFFFFFFF  }
0xb0: {  	s8 =	sshll.u32 @!p0 s1, $0xE  }
0xb1: {  	s8 =	sor.u32 @!p0 $0x4000, s8;
	s7 =	simm.s32 @!p0 $0x1B8D  }
0xb2: {  	s6 =	sshll.u32 @!p0 s6, $0x11;
	s8 =	sadd.s32 @!p0 $0x11B8D, s8;
	_ =	swait.eq @!p0 [sflag:s7], $0x1  }
0xb3: {  	s6 =	sor.u32 @!p0 s6, s8;
	[sflag:s7] =	ssyncadd.s32 @!p0 $0xFFFFFFFF  }
0xb4: {  	s25 =	simm.s32 $0x1B8E;
	s24 =	sld [smem:$0x3FFE];
	[sflag:s6] =	ssyncadd.remote.s32 @!p0 $0x1  }
0xb5: {  	s26 =	simm.s32 $execute0_lowered;
	[smem:$0x3FD2] =	sst s25  }
0xb6: {  	s7 =	sshll.u32 s26, $0x1;
	_ =	strace $0x80000049;
	[dreg:$0x1] =	wrdreg $0xFFFFFFFF  }
0xb7: {  	s28 =	simm.s32 $_size_execute0_lowered;
	s5 =	sadd.s32 s5, s7;
	[dreg:$0x0] =	wrdreg $0x0  }
0xb8: {  	s7 =	sshll.u32 s28, $0x1;
	[dreg:$0x2] =	wrdreg s5  }
0xb9: {  	[dreg:$0x3] =	wrdreg s7  }
0xba: {  	[dreg:$0x4] =	wrdreg $0xC0  }
0xbb: {  	_ =	task [dreg:s22], $0x5FFFF  }
0xbc: {  	[dreg:$0x1] =	wrdreg $0xFFFFFFFF  }
0xbd: {  	[dreg:$0x0] =	wrdreg $0x60  }
0xbe: {  	[dreg:$0x2] =	wrdreg s24  }
0xbf: {  	[dreg:$0x3] =	wrdreg s18  }
0xc0: {  	[dreg:$0x4] =	wrdreg s4  }
0xc1: {  	[dreg:$0x5] =	wrdreg $0x85800  }
0xc2: {  	[dreg:$0x6] =	wrdreg $0x9  }
0xc3: {  	_ =	task.clear_ibuf [dreg:s22], $0x7FFFF;
	_ =	strace $0x90000049  }
0xc4: {  	s29 =	simm.s32 $0x9;
	_ =	strace $0x8000004B  }
0xc5: {  	_ =	swait.ge [sflag:s29], $0x1  }
0xc6: {  	[sflag:s29] =	ssyncadd.s32 $0xFFFFFFFF  }
0xc7: {  	_ =	strace $0x9000004B  }
0xc8: {  	_ =	sfence  }
0xc9: {  	s30 =	sld [smem:$0x0];
	_ =	sdelay $0x2  }
0xca: {  	s31 =	sshll.u32 s1, $0xD;
	s1 =	sshrl.u32 s1, $0x2  }
0xcb: {  	s4 =	sand.u32 $0x4000, s31;
	s1 =	sadd.s32 s1, s30  }
0xcc: {  	s0 =	sor.u32 s4, s0;
	s1 =	sshll.u32 s1, $0x11  }
0xcd: {  	s0 =	sor.u32 s1, s0  }
0xce: {  	s0 =	sadd.s32 $0x8F2B, s0  }
0xcf: {  	[sflag:s0] =	ssyncadd.remote.s32 $0x1  }
0xd0: {  	_ =	sfence.sel $0xFFFF  }
0xd1: {  	[dreg:$0x0] =	wrdreg $0xFFFFFFFF;
	(pc) =	sbr.abs _section_cstart, $3  }
0xd2: {  	[dreg:$0x1] =	wrdreg $0xFFFFFFFF  }
0xd3: {  	_ =	task.clear_ibuf [dreg:s22], $0x2FFFF;
	_ =	strace $0x9FFFFFFF  }
0xd4: {  	(tm) =	ssettm $0x7FFFFFFF  }
0xd5: {  	_ =	shalt  }
tec
execute0_lowered:
.L_overlay_start_1:
0x0: {  	(tag) =	ssettag $0x1  }
0x1: {  	s0 =	rddreg [dreg:$0x0]  }
0x2: {  	s1 =	rddreg [dreg:$0x1];
	s11 =	stileid.u32  }
0x3: {  	s3 =	rddreg [dreg:$0x3];
	s7 =	smul.u32 $0x13C00, s11  }
0x4: {  	s2 =	srdreg.scid;
	s14 =	smul.u32 $0x4F000, s11  }
0x5: {  	s5 =	simm.s32 $0x0;
	s28 =	simm.s32 $0x4;
	s10 =	smul.u32 $0x9C400, s11  }
0x6: {  	s29 =	simm.s32 $0x8100;
	s2 =	sand.u32 $0x1, s2;
	s16 =	smul.u32 $0x1388, s11  }
0x7: {  	s30 =	simm.s32 $0x8500;
	[smem:$0x7FF] =	sst s5;
	s4 =	smul.u32 $0x13C000, s2  }
0x8: {  	s6 =	sadd.s32 $0x2C1C00, s0;
	s17 =	sshll.u32 s11, $0x6;
	s9 =	smul.u32 $0x9C4000, s2  }
0x9: {  	_ =	strace $0x8000004A;
	s8 =	ssub.s32 $0x2, s2;
	s2 =	smul.u32 $0x27100, s2  }
0xa: {  	s15 =	sshrl.u32 s8, $0x1;
	s18 =	sadd.s32 $0x1380, s16;
	s4 =	sadd.s32 s7, s4  }
0xb: {  	s7 =	sshrl.u32 s14, $0x2;
	s19 =	sshll.u32 s18, $0x7;
	s4 =	sshrl.u32 s4, $0x3  }
0xc: {  	s14 =	sadd.s32 s7, s3;
	s7 =	sor.u32 $0x1C05, s17;
	s0 =	sadd.s32 s4, s0  }
0xd: {  	s4 =	ssub.s32 s8, s15;
	s15 =	sadd.s32 s10, s9;
	s8 =	sadd.s32 s16, s2  }
0xe: {  	s9 =	sadd.s32 s9, s19;
	s2 =	sadd.s32 s2, s18;
	s18 =	sshrl.u32 s14, $0x3  }
0xf: {  	s19 =	simm.s32 $0x5;
	s10 =	sshrl.u32 s15, $0x3;
	s20 =	sshrl.u32 s8, $0x3  }
0x10: {  	s21 =	sshrl.u32 s9, $0x3;
	s2 =	sshrl.u32 s2, $0x3;
	s12 =	sadd.s32 $0x532C00, s0  }
0x11: {  	s13 =	smax.u32 s4, $0x1;
	s24 =	sadd.s32 $0x4000, s15;
	s31 =	sadd.s32 $0x8000, s15  }
0x12: {  	s25 =	sadd.s32 $0x80, s8;
	s8 =	sadd.s32 $0x100, s8;
	s10 =	sadd.s32 s6, s10  }
0x13: {  	s22 =	sadd.s32 s1, s20;
	s23 =	sadd.s32 s6, s21;
	s11 =	sadd.s32 s1, s2  }
0x14: {  	s0 =	sshrl.u32 s24, $0x3;
	s26 =	sshrl.u32 s25, $0x3;
	[dreg:$0x5] =	wrdreg s10  }
0x15: {  	s20 =	simm.s32 $0x8000;
	s21 =	simm.s32 $0x4000;
	[dreg:$0x6] =	wrdreg s22  }
0x16: {  	s24 =	simm.s32 $0x3;
	s25 =	simm.s32 $0x80;
	[dreg:$0x7] =	wrdreg s23  }
0x17: {  	s16 =	sadd.s32 s0, s6;
	s17 =	sadd.s32 s26, s1;
	s22 =	simm.s32 $0x8080  }
0x18: {  	s23 =	simm.s32 $0x1;
	s26 =	simm.s32 $0x2;
	s0 =	simm.s32 $0x0  }
.LBB2_1:
0x19: {  	s2 =	rddreg [dreg:$0x2]  }
0x1a: {  	[spmem:s18], [sflag:s7] =	dma.local [hbm:s2], $0x2780  }
0x1b: {  	_ =	swait.ge [sflag:s19], $0x2780  }
0x1c: {  	[sflag:s19] =	ssyncset.done $0x0  }
0x1d: {  	[sflag:s19] =	ssyncadd.s32 $0xFFFFD880  }
0x1e: {  	[bflag:$0x0] =	sbarrier.arrive $0xFFFF  }
0x1f: {  	s4 =	rddreg [dreg:$0x5]  }
0x20: {  	[tilespmem:s5], [sflag:$0x1] =	stream.linear.gather [hbm4b:s4+s5], $0x4000, $0x38;
	[tilespmem:$0x1C180] =	vst v63  }
0x21: {  	s9 =	rddreg [dreg:$0x6]  }
0x22: {  	[tilespmem:s20], [sflag:$0x3] =	stream.linear.gather [hbm4b:s9+s5], $0x80, $0x38;
	[tilespmem:$0x1C180] =	vst v63  }
0x23: {  	_ = 	snop  }
0x24: {  	[tilespmem:s21], [sflag:$0x2] =	stream.linear.gather [hbm4b:s16+s5], $0x4000, $0x38;
	[tilespmem:$0x1C180] =	vst v63  }
0x25: {  	s10 =	sadd.s32 $0x0, s17  }
0x26: {  	[tilespmem:s22], [sflag:$0x4] =	stream.linear.gather [hbm4b:s10+s5], $0x80, $0x38;
	[tilespmem:$0x1C180] =	vst v63  }
0x27: {  	_ =	swait.ge [sflag:s23], $0x4000  }
0x28: {  	[sflag:s23] =	ssyncset.done $0x0  }
0x29: {  	[sflag:s23] =	ssyncadd.s32 $0xFFFFC000  }
0x2a: {  	_ =	swait.ge [sflag:s24], $0x80  }
0x2b: {  	[sflag:s24] =	ssyncset.done $0x0  }
0x2c: {  	[sflag:s24] =	ssyncadd.s32 $0xFFFFFF80  }
0x2d: {  	[spmem:s3] =	stream.indirect.scatter.add.f32 [tilespmem:s5], [sflag:$0x5], $0x80, s20, s25, $0xb8;
	[tilespmem:$0x1C180] =	vst v63  }
0x2e: {  	_ =	swait.ge [sflag:s19], $0x4000  }
0x2f: {  	s14 =	sshrl.u32 s31, $0x3;
	[sflag:s19] =	ssyncset.done $0x0  }
0x30: {  	s2 =	sadd.s32 s6, s14;
	s4 =	sshrl.u32 s8, $0x3;
	[sflag:s19] =	ssyncadd.s32 $0xFFFFC000  }
0x31: {  	[tilespmem:s5], [sflag:$0x1] =	stream.linear.gather [hbm4b:s2+s5], $0x4000, $0x38;
	[tilespmem:$0x1C180] =	vst v63  }
0x32: {  	s15 =	sadd.s32 s1, s4  }
0x33: {  	[tilespmem:s20], [sflag:$0x3] =	stream.linear.gather [hbm4b:s15+s5], $0x80, $0x38;
	[tilespmem:$0x1C180] =	vst v63  }
0x34: {  	_ =	swait.ge [sflag:s26], $0x4000  }
0x35: {  	[sflag:s26] =	ssyncset.done $0x0  }
0x36: {  	[sflag:s26] =	ssyncadd.s32 $0xFFFFC000  }
0x37: {  	_ =	swait.ge [sflag:s28], $0x80  }
0x38: {  	[sflag:s28] =	ssyncset.done $0x0  }
0x39: {  	[sflag:s28] =	ssyncadd.s32 $0xFFFFFF80  }
0x3a: {  	[spmem:s3] =	stream.indirect.scatter.add.f32 [tilespmem:s21], [sflag:$0x5], $0x80, s22, s25, $0xb8;
	[tilespmem:$0x1C180] =	vst v63  }
0x3b: {  	s14 =	smov.u32 s31;
	s4 =	simm.s32 $0x20;
	_ =	swait.ge [sflag:s19], $0x4000  }
0x3c: {  	s2 =	sadd.s32 $0x1000, s16;
	s15 =	smov.u32 s8;
	[sflag:s19] =	ssyncset.done $0x0  }
.LBB2_2:
0x3d: {  	[sflag:s19] =	ssyncadd.s32 $0xFFFFC000;
	s14 =	sadd.s32 $0x8000, s14;
	s15 =	sadd.s32 $0x100, s15  }
0x3e: {  	[tilespmem:s21], [sflag:$0x2] =	stream.linear.gather [hbm4b:s2+s5], $0x4000, $0x38;
	[tilespmem:$0x1C180] =	vst v63  }
0x3f: {  	s9 =	sadd.s32 s4, s17;
	p0 =	sne.s32 s4, $0x240;
	s4 =	sadd.s32 $0x20, s4  }
0x40: {  	[tilespmem:s22], [sflag:$0x4] =	stream.linear.gather [hbm4b:s9+s5], $0x80, $0x38;
	[tilespmem:$0x1C180] =	vst v63  }
0x41: {  	_ =	swait.ge [sflag:s23], $0x4000  }
0x42: {  	[sflag:s23] =	ssyncset.done $0x0  }
0x43: {  	[sflag:s23] =	ssyncadd.s32 $0xFFFFC000  }
0x44: {  	_ =	swait.ge [sflag:s24], $0x80  }
0x45: {  	[sflag:s24] =	ssyncset.done $0x0  }
0x46: {  	[sflag:s24] =	ssyncadd.s32 $0xFFFFFF80  }
0x47: {  	[spmem:s3] =	stream.indirect.scatter.add.f32 [tilespmem:s5], [sflag:$0x5], $0x80, s20, s25, $0xb8;
	[tilespmem:$0x1C180] =	vst v63  }
0x48: {  	_ =	swait.ge [sflag:s19], $0x4000  }
0x49: {  	s9 =	sshrl.u32 s14, $0x3;
	[sflag:s19] =	ssyncset.done $0x0  }
0x4a: {  	s10 =	sshrl.u32 s15, $0x3;
	s9 =	sadd.s32 s6, s9;
	[sflag:s19] =	ssyncadd.s32 $0xFFFFC000  }
0x4b: {  	[tilespmem:s5], [sflag:$0x1] =	stream.linear.gather [hbm4b:s9+s5], $0x4000, $0x38;
	[tilespmem:$0x1C180] =	vst v63  }
0x4c: {  	s9 =	sadd.s32 s1, s10  }
0x4d: {  	[tilespmem:s20], [sflag:$0x3] =	stream.linear.gather [hbm4b:s9+s5], $0x80, $0x38;
	[tilespmem:$0x1C180] =	vst v63  }
0x4e: {  	_ =	swait.ge [sflag:s26], $0x4000  }
0x4f: {  	[sflag:s26] =	ssyncset.done $0x0  }
0x50: {  	[sflag:s26] =	ssyncadd.s32 $0xFFFFC000  }
0x51: {  	_ =	swait.ge [sflag:s28], $0x80  }
.Ltmp0:
0x52: {  	[sflag:s28] =	ssyncset.done $0x0;
	(pc) =	sbr.rel @p0 .LBB2_2-.Ltmp0, $4  }
0x53: {  	[sflag:s28] =	ssyncadd.s32 $0xFFFFFF80  }
0x54: {  	[spmem:s3] =	stream.indirect.scatter.add.f32 [tilespmem:s21], [sflag:$0x5], $0x80, s22, s25, $0xb8;
	[tilespmem:$0x1C180] =	vst v63  }
0x55: {  	_ =	swait.ge [sflag:s19], $0x4000  }
0x56: {  	s2 =	sadd.s32 $0x1000, s2;
	[sflag:s19] =	ssyncset.done $0x0  }
0x57: {  	[sflag:s19] =	ssyncadd.s32 $0xFFFFC000  }
0x58: {  	_ =	swait.ge [sflag:s23], $0x4000  }
0x59: {  	[sflag:s23] =	ssyncset.done $0x0  }
0x5a: {  	[sflag:s23] =	ssyncadd.s32 $0xFFFFC000  }
0x5b: {  	_ =	swait.ge [sflag:s24], $0x80  }
0x5c: {  	[sflag:s24] =	ssyncset.done $0x0  }
0x5d: {  	[sflag:s24] =	ssyncadd.s32 $0xFFFFFF80  }
0x5e: {  	[spmem:s3] =	stream.indirect.scatter.add.f32 [tilespmem:s5], [sflag:$0x5], $0x80, s20, s25, $0xb8;
	[tilespmem:$0x1C180] =	vst v63  }
0x5f: {  	_ =	swait.ge [sflag:s19], $0x4000  }
0x60: {  	[sflag:s19] =	ssyncset.done $0x0  }
0x61: {  	s2 =	rddreg [dreg:$0x7];
	[sflag:s19] =	ssyncadd.s32 $0xFFFFC000  }
0x62: {  	[tilespmem:s29], [sflag:$0x5] =	stream.linear.gather [hbm4b:s2+s5], $0x400, $0x38;
	[tilespmem:$0x1C180] =	vst v63  }
0x63: {  	_ =	swait.ge [sflag:s19], $0x400  }
0x64: {  	[sflag:s19] =	ssyncset.done $0x0  }
0x65: {  	[sflag:s19] =	ssyncadd.s32 $0xFFFFFC00  }
0x66: {  	[tilespmem:s30], [sflag:$0x5] =	stream.linear.gather [hbm4b:s11+s5], $0x8, $0x38;
	[tilespmem:$0x1C180] =	vst v63  }
0x67: {  	_ =	swait.ge [sflag:s19], $0x8  }
0x68: {  	[sflag:s19] =	ssyncset.done $0x0  }
0x69: {  	s15 =	simm.s32 $0x8;
	[sflag:s19] =	ssyncadd.s32 $0xFFFFFFF8  }
0x6a: {  	[spmem:s3] =	stream.indirect.scatter.add.f32 [tilespmem:s29], [sflag:$0x5], $0x80, s30, s15, $0xb8;
	[tilespmem:$0x1C180] =	vst v63  }
0x6b: {  	_ =	swait.ge [sflag:s19], $0x400  }
0x6c: {  	s0 =	sadd.s32 $0x1, s0;
	[sflag:s19] =	ssyncset.done $0x0  }
0x6d: {  	p0 =	sne.s32 s0, s13;
	[sflag:s19] =	ssyncadd.s32 $0xFFFFFC00  }
.Ltmp1:
0x6e: {  	[bflag:$0x0] =	sbarrier.arrive $0xFFFF;
	(pc) =	sbr.rel @p0 .LBB2_1-.Ltmp1, $4  }
0x6f: {  	[hbm:s12], [sflag:s7] =	dma.local [spmem:s18], $0x2780  }
0x70: {  	_ =	swait.ge [sflag:s19], $0x2780  }
0x71: {  	[sflag:s19] =	ssyncset.done $0x0  }
0x72: {  	[sflag:s19] =	ssyncadd.s32 $0xFFFFD880  }
0x73: {  	_ =	sfence.sel $0x180000  }
0x74: {  	[bflag:$0x0] =	sbarrier.arrive $0xFFFF  }
0x75: {  	_ =	strace $0x9000004A  }
0x76: {  	s0 =	stileid.u32;
	[bflag:$0x2] =	sbarrier.arrive $0xFFFF  }
0x77: {  	p0 =	sne.s32 s0, $0x0;
	s0 =	rddreg [dreg:$0x4]  }
0x78: {  	s0 =	sadd.s32 @!p0 $0x100000, s0  }
0x79: {  	[sflag:s0] =	ssyncadd.tile.s32 @!p0 $0x1;
	_ =	shalt  }
.Lfunc_end2:
_tile_overlayer_lowered:
.L_overlay_start_2:
0x7a: {  	(tag) =	ssettag $0x2  }
0x7b: {  	s0 =	rddreg [dreg:$0x0];
	s2 =	stileid.u32  }
0x7c: {  	s1 =	rddreg [dreg:$0x1];
	p0 =	sne.s32 s2, $0x0  }
0x7d: {  	s3 =	rddreg [dreg:$0x2];
	[bflag:$0x3] =	sbarrier.arrive $0xFFFF;
	s2 =	simm.s32 @!p0 $0x1C05  }
0x7e: {  	[timem:s3], [sflag:s2] =	dma.local @!p0 [hbm:s0], s1  }
0x7f: {  	s0 =	simm.s32 @!p0 $0x5  }
0x80: {  	_ =	swait.ge @!p0 [sflag:s0], s1  }
0x81: {  	s1 =	ssub.s32 @!p0 $0x0, s1;
	[sflag:s0] =	ssyncset.done @!p0 $0x0  }
0x82: {  	[sflag:s0] =	ssyncadd.s32 @!p0 s1  }
0x83: {  	[bflag:$0x3] =	sbarrier.arrive $0xFFFF  }
0x84: {  	_ =	shalt  }

</sc_bundles>
